<compile_context>
chip_gen: v7x
topology: tpu7x:2x2x1
jax: 0.10.2.dev20260603
libtpu: 0.0.44.dev20260713+nightly
codegen_flags: <defaults>
</compile_context>

<pallas_src>
import jax
import jax.numpy as jnp
from jax import lax
from jax.experimental import pallas as pl
from jax.experimental.pallas import tpu as pltpu
from jax.experimental.pallas import tpu_sc as plsc

_NC = 2
_NS = 16
_NW = _NC * _NS
_CH = 128
_NBUF = 5
_PF = 3


def _gather_sc(table, idx):
    V, D = table.shape
    assert V % 8 == 0
    B = idx.shape[0]
    assert B % (_NW * _CH) == 0
    per_w = B // _NW
    n_ch = per_w // _CH
    assert n_ch % _NBUF == 0 and n_ch >= 2 * _NBUF
    q = _NBUF - _PF

    mesh = plsc.VectorSubcoreMesh(core_axis_name="c", subcore_axis_name="s")

    def body(table_hbm, idx_hbm, out_hbm, idx_v, table_sp, *bufs):
        rows = bufs[:_NBUF]
        gsem = bufs[_NBUF:2 * _NBUF]
        osem = bufs[2 * _NBUF:3 * _NBUF]
        sid = lax.axis_index("s")
        wid = lax.axis_index("c") * _NS + sid
        base = wid * per_w

        rpt = (-(-V // _NS) + 7) // 8 * 8
        n_full = V // rpt
        rem = V - n_full * rpt

        @pl.when(sid < n_full)
        def _():
            pltpu.sync_copy(
                table_hbm.at[pl.ds(sid * rpt, rpt)],
                table_sp.at[pl.ds(sid * rpt, rpt)])

        if rem:
            @pl.when(sid == n_full)
            def _():
                pltpu.sync_copy(
                    table_hbm.at[pl.ds(n_full * rpt, rem)],
                    table_sp.at[pl.ds(n_full * rpt, rem)])

        pltpu.sync_copy(idx_hbm.at[wid], idx_v)
        plsc.subcore_barrier()

        def gather(j, b):
            return pltpu.make_async_copy(
                table_sp.at[idx_v.at[j]], rows[b], gsem[b])

        def store(j, b):
            return pltpu.make_async_copy(
                rows[b], out_hbm.at[pl.ds(base + j * _CH, _CH)], osem[b])

        for j in range(_PF):
            gather(j, j % _NBUF).start()
        for j in range(q):
            gather(j, j % _NBUF).wait()
            store(j, j % _NBUF).start()
            gather(j + _PF, (j + _PF) % _NBUF).start()

        def step(i, _):
            j0 = q + i * _NBUF
            for u in range(_NBUF):
                j = j0 + u
                b = (q + u) % _NBUF
                bg = u % _NBUF
                store(j - q, bg).wait()
                gather(j + _PF, bg).start()
                gather(j, b).wait()
                store(j, b).start()
            return _

        n_main = (n_ch - _PF - q) // _NBUF
        lax.fori_loop(0, n_main, step, 0)

        for j in range(n_ch - _PF, n_ch):
            gather(j, j % _NBUF).wait()
            store(j, j % _NBUF).start()
        for j in range(n_ch - _NBUF, n_ch):
            store(j, j % _NBUF).wait()

    f = pl.kernel(
        body,
        out_type=jax.ShapeDtypeStruct((B, D), jnp.float32),
        mesh=mesh,
        scratch_types=(
            [pltpu.VMEM((n_ch, _CH), jnp.int32),
             pltpu.VMEM_SHARED((V, D), jnp.float32)]
            + [pltpu.VMEM((_CH, D), jnp.float32) for _ in range(_NBUF)]
            + [pltpu.SemaphoreType.DMA for _ in range(2 * _NBUF)]
        ),
    )
    return f(table, idx.reshape(_NW, n_ch, _CH))


def kernel(gene_pos, pe):
    B, L = gene_pos.shape
    table = pe.reshape(pe.shape[0], pe.shape[-1])
    flat = gene_pos.reshape(-1)
    out = _gather_sc(table, flat)
    return out.reshape(B, L, pe.shape[-1])

# --- scband reference (transcript-rebuilt; emitter-appended) ---
"""Pipeline reference for scband-positional-encoding-463856468084 (READ-ONLY COPY).

The authoritative reference and input builder live on the scoring server;
editing this copy changes nothing except your own understanding.
"""

import math
import jax, jax.numpy as jnp
import numpy as np

D_MODEL = 128
MAX_LEN = 1000
N_TOKENS = 1000
MAXVAL = 10000.0


def _build_pe():
    # Replicates the torch __init__: sinusoidal table, then rows reordered by
    # token_to_pos (here token str(i) -> position i+1, so rows stay in order).
    position = np.arange(MAX_LEN, dtype=np.float32)[:, None]
    div_term = np.exp(np.arange(0, D_MODEL, 2, dtype=np.float32) * (-math.log(MAXVAL) / D_MODEL))
    pe = np.zeros((MAX_LEN, 1, D_MODEL), dtype=np.float32)
    pe[:, 0, 0::2] = np.sin(position * div_term)
    pe[:, 0, 1::2] = np.cos(position * div_term)
    rows = np.stack([pe[v - 1] for v in range(1, N_TOKENS + 1)], axis=0)
    return jnp.asarray(rows)  # [N_TOKENS, 1, D_MODEL]


def setup_inputs(seed: int = 0) -> dict:
    key = jax.random.key(seed)
    gene_pos = jax.random.randint(key, (1024, 200), 0, N_TOKENS, dtype=jnp.int32)
    pe = _build_pe()
    return {"gene_pos": gene_pos, "pe": pe}


def reference(gene_pos, pe):
    # torch.index_select(self.pe, 0, gene_pos.view(-1)).view(gene_pos.shape + (-1,))
    flat = gene_pos.reshape(-1)
    out = jnp.take(pe, flat, axis=0)  # [B*L, 1, D_MODEL]
    return out.reshape(gene_pos.shape + (-1,))  # [B, L, D_MODEL]

if __name__ == "__main__":
    import jax
    _d = setup_inputs()
    print(jax.jit(kernel)(*tuple(_d.values())))

</pallas_src>

<mosaic_0001>
#map = affine_map<(d0, d1) -> (0, 0)>
#map1 = affine_map<(d0, d1) -> (0, 0, 0)>
module attributes {stable_mosaic.version = 14 : i64} {
  func.func @body(%arg0: i32, %arg1: i32, %arg2: memref<1000x128xf32, #tpu.memory_space<hbm>>, %arg3: memref<32x50x128xi32, #tpu.memory_space<hbm>>, %arg4: memref<204800x128xf32, #tpu.memory_space<hbm>>, %arg5: memref<50x128xi32, #tpu.memory_space<vmem>>, %arg6: memref<1000x128xf32, #tpu.memory_space<vmem_shared>>, %arg7: memref<128x128xf32, #tpu.memory_space<vmem>>, %arg8: memref<128x128xf32, #tpu.memory_space<vmem>>, %arg9: memref<128x128xf32, #tpu.memory_space<vmem>>, %arg10: memref<128x128xf32, #tpu.memory_space<vmem>>, %arg11: memref<128x128xf32, #tpu.memory_space<vmem>>, %arg12: memref<!tpu.dma_semaphore, #tpu.memory_space<semaphore_mem>>, %arg13: memref<!tpu.dma_semaphore, #tpu.memory_space<semaphore_mem>>, %arg14: memref<!tpu.dma_semaphore, #tpu.memory_space<semaphore_mem>>, %arg15: memref<!tpu.dma_semaphore, #tpu.memory_space<semaphore_mem>>, %arg16: memref<!tpu.dma_semaphore, #tpu.memory_space<semaphore_mem>>, %arg17: memref<!tpu.dma_semaphore, #tpu.memory_space<semaphore_mem>>, %arg18: memref<!tpu.dma_semaphore, #tpu.memory_space<semaphore_mem>>, %arg19: memref<!tpu.dma_semaphore, #tpu.memory_space<semaphore_mem>>, %arg20: memref<!tpu.dma_semaphore, #tpu.memory_space<semaphore_mem>>, %arg21: memref<!tpu.dma_semaphore, #tpu.memory_space<semaphore_mem>>) attributes {dimension_semantics = [#tpu.dimension_semantics<core_parallel>, #tpu.dimension_semantics<subcore_parallel>], iteration_bounds = array<i64: 2, 16>, scalar_prefetch = 0 : i64, scratch_operands = 17 : i64, tpu.core_type = #tpu.core_type<sc_vector_subcore>, window_params = [{transform_indices = #map}, {transform_indices = #map1}, {transform_indices = #map}]} {
    %mul3A = arith.constant 16 : i32
    %mul3A_0 = arith.muli %arg0, %mul3A : i32
    %add3A = arith.addi %mul3A_0, %arg1 : i32
    %mul3A_1 = arith.constant 6400 : i32
    %mul3A_2 = arith.muli %add3A, %mul3A_1 : i32
    %lt3A = arith.constant 15 : i32
    %lt3A_3 = arith.cmpi slt, %arg1, %lt3A : i32
    %convert_element_type3A = arith.extui %lt3A_3 : i1 to i32
    %cond3A = arith.constant 0 : i32
    %cond3A_4 = arith.cmpi ne, %convert_element_type3A, %cond3A : i32
    scf.if %cond3A_4 {
      %mul3A_142 = arith.constant 64 : i32
      %mul3A_143 = arith.muli %arg1, %mul3A_142 : i32
      %mul3A_144 = arith.constant 64 : i32
      %mul3A_145 = arith.muli %arg1, %mul3A_144 : i32
      "tpu.region"() ({
        %run_scoped3A = tpu.sem_alloc : memref<!tpu.dma_semaphore, #tpu.memory_space<semaphore_mem>>
        %dma_start3A_146 = arith.constant 0 : i32
        %dma_start3A_147 = tpu.memref_slice %arg6[%mul3A_145, %dma_start3A_146] : memref<1000x128xf32, #tpu.memory_space<vmem_shared>> -> memref<64x128xf32, #tpu.memory_space<vmem_shared>>
        %dma_start3A_148 = arith.constant 0 : i32
        %dma_start3A_149 = tpu.memref_slice %arg2[%mul3A_143, %dma_start3A_148] : memref<1000x128xf32, #tpu.memory_space<hbm>> -> memref<64x128xf32, #tpu.memory_space<hbm>>
        tpu.enqueue_dma source(%dma_start3A_149 : memref<64x128xf32, #tpu.memory_space<hbm>>) target(%dma_start3A_147 : memref<64x128xf32, #tpu.memory_space<vmem_shared>>) target_semaphore(%run_scoped3A : memref<!tpu.dma_semaphore, #tpu.memory_space<semaphore_mem>>)
        %dma_wait3A_150 = arith.constant 0 : i32
        %dma_wait3A_151 = tpu.memref_slice %arg6[%mul3A_145, %dma_wait3A_150] : memref<1000x128xf32, #tpu.memory_space<vmem_shared>> -> memref<64x128xf32, #tpu.memory_space<vmem_shared>>
        %dma_wait3A_152 = arith.constant 0 : i32
        %dma_wait3A_153 = tpu.memref_slice %arg2[%mul3A_143, %dma_wait3A_152] : memref<1000x128xf32, #tpu.memory_space<hbm>> -> memref<64x128xf32, #tpu.memory_space<hbm>>
        tpu.wait_dma2 semaphore(%run_scoped3A : memref<!tpu.dma_semaphore, #tpu.memory_space<semaphore_mem>>) src(%dma_wait3A_153 : memref<64x128xf32, #tpu.memory_space<hbm>>) dst(%dma_wait3A_151 : memref<64x128xf32, #tpu.memory_space<vmem_shared>>)
        tpu.yield
      }) : () -> ()
    } else {
    }
    %eq3A = arith.constant 15 : i32
    %eq3A_5 = arith.cmpi eq, %arg1, %eq3A : i32
    %convert_element_type3A_6 = arith.extui %eq3A_5 : i1 to i32
    %cond3A_7 = arith.constant 0 : i32
    %cond3A_8 = arith.cmpi ne, %convert_element_type3A_6, %cond3A_7 : i32
    scf.if %cond3A_8 {
      "tpu.region"() ({
        %run_scoped3A = tpu.sem_alloc : memref<!tpu.dma_semaphore, #tpu.memory_space<semaphore_mem>>
        %dma_start3A_142 = arith.constant 960 : i32
        %dma_start3A_143 = arith.constant 0 : i32
        %dma_start3A_144 = tpu.memref_slice %arg6[%dma_start3A_142, %dma_start3A_143] : memref<1000x128xf32, #tpu.memory_space<vmem_shared>> -> memref<40x128xf32, #tpu.memory_space<vmem_shared>>
        %dma_start3A_145 = arith.constant 960 : i32
        %dma_start3A_146 = arith.constant 0 : i32
        %dma_start3A_147 = tpu.memref_slice %arg2[%dma_start3A_145, %dma_start3A_146] : memref<1000x128xf32, #tpu.memory_space<hbm>> -> memref<40x128xf32, #tpu.memory_space<hbm>>
        tpu.enqueue_dma source(%dma_start3A_147 : memref<40x128xf32, #tpu.memory_space<hbm>>) target(%dma_start3A_144 : memref<40x128xf32, #tpu.memory_space<vmem_shared>>) target_semaphore(%run_scoped3A : memref<!tpu.dma_semaphore, #tpu.memory_space<semaphore_mem>>)
        %dma_wait3A_148 = arith.constant 960 : i32
        %dma_wait3A_149 = arith.constant 0 : i32
        %dma_wait3A_150 = tpu.memref_slice %arg6[%dma_wait3A_148, %dma_wait3A_149] : memref<1000x128xf32, #tpu.memory_space<vmem_shared>> -> memref<40x128xf32, #tpu.memory_space<vmem_shared>>
        %dma_wait3A_151 = arith.constant 960 : i32
        %dma_wait3A_152 = arith.constant 0 : i32
        %dma_wait3A_153 = tpu.memref_slice %arg2[%dma_wait3A_151, %dma_wait3A_152] : memref<1000x128xf32, #tpu.memory_space<hbm>> -> memref<40x128xf32, #tpu.memory_space<hbm>>
        tpu.wait_dma2 semaphore(%run_scoped3A : memref<!tpu.dma_semaphore, #tpu.memory_space<semaphore_mem>>) src(%dma_wait3A_153 : memref<40x128xf32, #tpu.memory_space<hbm>>) dst(%dma_wait3A_150 : memref<40x128xf32, #tpu.memory_space<vmem_shared>>)
        tpu.yield
      }) : () -> ()
    } else {
    }
    "tpu.region"() ({
      %run_scoped3A = tpu.sem_alloc : memref<!tpu.dma_semaphore, #tpu.memory_space<semaphore_mem>>
      %dma_start3A_142 = arith.constant 0 : i32
      %dma_start3A_143 = arith.constant 0 : i32
      %dma_start3A_144 = tpu.memref_slice %arg3[%add3A, %dma_start3A_142, %dma_start3A_143] : memref<32x50x128xi32, #tpu.memory_space<hbm>> -> memref<1x50x128xi32, #tpu.memory_space<hbm>>
      %dma_start3A_145 = tpu.memref_squeeze %dma_start3A_144 : memref<1x50x128xi32, #tpu.memory_space<hbm>> -> memref<50x128xi32, #tpu.memory_space<hbm>>
      %dma_start3A_146 = arith.constant 0 : i32
      %dma_start3A_147 = arith.constant 0 : i32
      %dma_start3A_148 = tpu.memref_slice %arg3[%add3A, %dma_start3A_146, %dma_start3A_147] : memref<32x50x128xi32, #tpu.memory_space<hbm>> -> memref<1x50x128xi32, #tpu.memory_space<hbm>>
      %dma_start3A_149 = tpu.memref_squeeze %dma_start3A_148 : memref<1x50x128xi32, #tpu.memory_space<hbm>> -> memref<50x128xi32, #tpu.memory_space<hbm>>
      tpu.enqueue_dma source(%dma_start3A_149 : memref<50x128xi32, #tpu.memory_space<hbm>>) target(%arg5 : memref<50x128xi32, #tpu.memory_space<vmem>>) target_semaphore(%run_scoped3A : memref<!tpu.dma_semaphore, #tpu.memory_space<semaphore_mem>>)
      %dma_wait3A_150 = arith.constant 0 : i32
      %dma_wait3A_151 = arith.constant 0 : i32
      %dma_wait3A_152 = tpu.memref_slice %arg3[%add3A, %dma_wait3A_150, %dma_wait3A_151] : memref<32x50x128xi32, #tpu.memory_space<hbm>> -> memref<1x50x128xi32, #tpu.memory_space<hbm>>
      %dma_wait3A_153 = tpu.memref_squeeze %dma_wait3A_152 : memref<1x50x128xi32, #tpu.memory_space<hbm>> -> memref<50x128xi32, #tpu.memory_space<hbm>>
      %dma_wait3A_154 = arith.constant 0 : i32
      %dma_wait3A_155 = arith.constant 0 : i32
      %dma_wait3A_156 = tpu.memref_slice %arg3[%add3A, %dma_wait3A_154, %dma_wait3A_155] : memref<32x50x128xi32, #tpu.memory_space<hbm>> -> memref<1x50x128xi32, #tpu.memory_space<hbm>>
      %dma_wait3A_157 = tpu.memref_squeeze %dma_wait3A_156 : memref<1x50x128xi32, #tpu.memory_space<hbm>> -> memref<50x128xi32, #tpu.memory_space<hbm>>
      tpu.wait_dma2 semaphore(%run_scoped3A : memref<!tpu.dma_semaphore, #tpu.memory_space<semaphore_mem>>) src(%dma_wait3A_157 : memref<50x128xi32, #tpu.memory_space<hbm>>) dst(%arg5 : memref<50x128xi32, #tpu.memory_space<vmem>>)
      tpu.yield
    }) : () -> ()
    %barrier3A = arith.constant 0 : index
    tpu.barrier barrier_id(%barrier3A)
    %dma_start3A = arith.constant 0 : i32
    %dma_start3A_9 = arith.constant 0 : i32
    %dma_start3A_10 = tpu.memref_slice %arg5[%dma_start3A, %dma_start3A_9] : memref<50x128xi32, #tpu.memory_space<vmem>> -> memref<1x128xi32, #tpu.memory_space<vmem>>
    %dma_start3A_11 = tpu.memref_squeeze %dma_start3A_10 : memref<1x128xi32, #tpu.memory_space<vmem>> -> memref<128xi32, #tpu.memory_space<vmem>>
    %dma_start3A_12 = arith.constant 0 : i32
    %dma_start3A_13 = arith.constant 0 : i32
    %dma_start3A_14 = tpu.memref_slice %arg6[%dma_start3A_12, %dma_start3A_13] : memref<1000x128xf32, #tpu.memory_space<vmem_shared>> -> memref<1000x128xf32, #tpu.memory_space<vmem_shared>>
    tpu.enqueue_indirect_dma source(%dma_start3A_14 : memref<1000x128xf32, #tpu.memory_space<vmem_shared>>) target(%arg7 : memref<128x128xf32, #tpu.memory_space<vmem>>) offsets(%dma_start3A_11 : memref<128xi32, #tpu.memory_space<vmem>>) semaphore(%arg12 : memref<!tpu.dma_semaphore, #tpu.memory_space<semaphore_mem>>)
    %dma_start3A_15 = arith.constant 1 : i32
    %dma_start3A_16 = arith.constant 0 : i32
    %dma_start3A_17 = tpu.memref_slice %arg5[%dma_start3A_15, %dma_start3A_16] : memref<50x128xi32, #tpu.memory_space<vmem>> -> memref<1x128xi32, #tpu.memory_space<vmem>>
    %dma_start3A_18 = tpu.memref_squeeze %dma_start3A_17 : memref<1x128xi32, #tpu.memory_space<vmem>> -> memref<128xi32, #tpu.memory_space<vmem>>
    %dma_start3A_19 = arith.constant 0 : i32
    %dma_start3A_20 = arith.constant 0 : i32
    %dma_start3A_21 = tpu.memref_slice %arg6[%dma_start3A_19, %dma_start3A_20] : memref<1000x128xf32, #tpu.memory_space<vmem_shared>> -> memref<1000x128xf32, #tpu.memory_space<vmem_shared>>
    tpu.enqueue_indirect_dma source(%dma_start3A_21 : memref<1000x128xf32, #tpu.memory_space<vmem_shared>>) target(%arg8 : memref<128x128xf32, #tpu.memory_space<vmem>>) offsets(%dma_start3A_18 : memref<128xi32, #tpu.memory_space<vmem>>) semaphore(%arg13 : memref<!tpu.dma_semaphore, #tpu.memory_space<semaphore_mem>>)
    %dma_start3A_22 = arith.constant 2 : i32
    %dma_start3A_23 = arith.constant 0 : i32
    %dma_start3A_24 = tpu.memref_slice %arg5[%dma_start3A_22, %dma_start3A_23] : memref<50x128xi32, #tpu.memory_space<vmem>> -> memref<1x128xi32, #tpu.memory_space<vmem>>
    %dma_start3A_25 = tpu.memref_squeeze %dma_start3A_24 : memref<1x128xi32, #tpu.memory_space<vmem>> -> memref<128xi32, #tpu.memory_space<vmem>>
    %dma_start3A_26 = arith.constant 0 : i32
    %dma_start3A_27 = arith.constant 0 : i32
    %dma_start3A_28 = tpu.memref_slice %arg6[%dma_start3A_26, %dma_start3A_27] : memref<1000x128xf32, #tpu.memory_space<vmem_shared>> -> memref<1000x128xf32, #tpu.memory_space<vmem_shared>>
    tpu.enqueue_indirect_dma source(%dma_start3A_28 : memref<1000x128xf32, #tpu.memory_space<vmem_shared>>) target(%arg9 : memref<128x128xf32, #tpu.memory_space<vmem>>) offsets(%dma_start3A_25 : memref<128xi32, #tpu.memory_space<vmem>>) semaphore(%arg14 : memref<!tpu.dma_semaphore, #tpu.memory_space<semaphore_mem>>)
    %dma_wait3A = arith.constant 0 : i32
    %dma_wait3A_29 = arith.constant 0 : i32
    %dma_wait3A_30 = tpu.memref_slice %arg5[%dma_wait3A, %dma_wait3A_29] : memref<50x128xi32, #tpu.memory_space<vmem>> -> memref<1x128xi32, #tpu.memory_space<vmem>>
    %dma_wait3A_31 = tpu.memref_squeeze %dma_wait3A_30 : memref<1x128xi32, #tpu.memory_space<vmem>> -> memref<128xi32, #tpu.memory_space<vmem>>
    %dma_wait3A_32 = arith.constant 0 : i32
    %dma_wait3A_33 = arith.constant 0 : i32
    %dma_wait3A_34 = tpu.memref_slice %arg6[%dma_wait3A_32, %dma_wait3A_33] : memref<1000x128xf32, #tpu.memory_space<vmem_shared>> -> memref<1000x128xf32, #tpu.memory_space<vmem_shared>>
    tpu.wait_indirect_dma semaphore(%arg12 : memref<!tpu.dma_semaphore, #tpu.memory_space<semaphore_mem>>) src(%dma_wait3A_34 : memref<1000x128xf32, #tpu.memory_space<vmem_shared>>) dst(%arg7 : memref<128x128xf32, #tpu.memory_space<vmem>>)
    %add3A_35 = arith.constant 0 : i32
    %add3A_36 = arith.addi %mul3A_2, %add3A_35 : i32
    %dma_start3A_37 = arith.constant 0 : i32
    %dma_start3A_38 = tpu.memref_slice %arg4[%add3A_36, %dma_start3A_37] : memref<204800x128xf32, #tpu.memory_space<hbm>> -> memref<128x128xf32, #tpu.memory_space<hbm>>
    %dma_start3A_39 = arith.constant 0 : i32
    %dma_start3A_40 = tpu.memref_slice %arg4[%add3A_36, %dma_start3A_39] : memref<204800x128xf32, #tpu.memory_space<hbm>> -> memref<128x128xf32, #tpu.memory_space<hbm>>
    tpu.enqueue_dma source(%arg7 : memref<128x128xf32, #tpu.memory_space<vmem>>) target(%dma_start3A_40 : memref<128x128xf32, #tpu.memory_space<hbm>>) target_semaphore(%arg17 : memref<!tpu.dma_semaphore, #tpu.memory_space<semaphore_mem>>)
    %dma_start3A_41 = arith.constant 3 : i32
    %dma_start3A_42 = arith.constant 0 : i32
    %dma_start3A_43 = tpu.memref_slice %arg5[%dma_start3A_41, %dma_start3A_42] : memref<50x128xi32, #tpu.memory_space<vmem>> -> memref<1x128xi32, #tpu.memory_space<vmem>>
    %dma_start3A_44 = tpu.memref_squeeze %dma_start3A_43 : memref<1x128xi32, #tpu.memory_space<vmem>> -> memref<128xi32, #tpu.memory_space<vmem>>
    %dma_start3A_45 = arith.constant 0 : i32
    %dma_start3A_46 = arith.constant 0 : i32
    %dma_start3A_47 = tpu.memref_slice %arg6[%dma_start3A_45, %dma_start3A_46] : memref<1000x128xf32, #tpu.memory_space<vmem_shared>> -> memref<1000x128xf32, #tpu.memory_space<vmem_shared>>
    tpu.enqueue_indirect_dma source(%dma_start3A_47 : memref<1000x128xf32, #tpu.memory_space<vmem_shared>>) target(%arg10 : memref<128x128xf32, #tpu.memory_space<vmem>>) offsets(%dma_start3A_44 : memref<128xi32, #tpu.memory_space<vmem>>) semaphore(%arg15 : memref<!tpu.dma_semaphore, #tpu.memory_space<semaphore_mem>>)
    %dma_wait3A_48 = arith.constant 1 : i32
    %dma_wait3A_49 = arith.constant 0 : i32
    %dma_wait3A_50 = tpu.memref_slice %arg5[%dma_wait3A_48, %dma_wait3A_49] : memref<50x128xi32, #tpu.memory_space<vmem>> -> memref<1x128xi32, #tpu.memory_space<vmem>>
    %dma_wait3A_51 = tpu.memref_squeeze %dma_wait3A_50 : memref<1x128xi32, #tpu.memory_space<vmem>> -> memref<128xi32, #tpu.memory_space<vmem>>
    %dma_wait3A_52 = arith.constant 0 : i32
    %dma_wait3A_53 = arith.constant 0 : i32
    %dma_wait3A_54 = tpu.memref_slice %arg6[%dma_wait3A_52, %dma_wait3A_53] : memref<1000x128xf32, #tpu.memory_space<vmem_shared>> -> memref<1000x128xf32, #tpu.memory_space<vmem_shared>>
    tpu.wait_indirect_dma semaphore(%arg13 : memref<!tpu.dma_semaphore, #tpu.memory_space<semaphore_mem>>) src(%dma_wait3A_54 : memref<1000x128xf32, #tpu.memory_space<vmem_shared>>) dst(%arg8 : memref<128x128xf32, #tpu.memory_space<vmem>>)
    %add3A_55 = arith.constant 128 : i32
    %add3A_56 = arith.addi %mul3A_2, %add3A_55 : i32
    %dma_start3A_57 = arith.constant 0 : i32
    %dma_start3A_58 = tpu.memref_slice %arg4[%add3A_56, %dma_start3A_57] : memref<204800x128xf32, #tpu.memory_space<hbm>> -> memref<128x128xf32, #tpu.memory_space<hbm>>
    %dma_start3A_59 = arith.constant 0 : i32
    %dma_start3A_60 = tpu.memref_slice %arg4[%add3A_56, %dma_start3A_59] : memref<204800x128xf32, #tpu.memory_space<hbm>> -> memref<128x128xf32, #tpu.memory_space<hbm>>
    tpu.enqueue_dma source(%arg8 : memref<128x128xf32, #tpu.memory_space<vmem>>) target(%dma_start3A_60 : memref<128x128xf32, #tpu.memory_space<hbm>>) target_semaphore(%arg18 : memref<!tpu.dma_semaphore, #tpu.memory_space<semaphore_mem>>)
    %dma_start3A_61 = arith.constant 4 : i32
    %dma_start3A_62 = arith.constant 0 : i32
    %dma_start3A_63 = tpu.memref_slice %arg5[%dma_start3A_61, %dma_start3A_62] : memref<50x128xi32, #tpu.memory_space<vmem>> -> memref<1x128xi32, #tpu.memory_space<vmem>>
    %dma_start3A_64 = tpu.memref_squeeze %dma_start3A_63 : memref<1x128xi32, #tpu.memory_space<vmem>> -> memref<128xi32, #tpu.memory_space<vmem>>
    %dma_start3A_65 = arith.constant 0 : i32
    %dma_start3A_66 = arith.constant 0 : i32
    %dma_start3A_67 = tpu.memref_slice %arg6[%dma_start3A_65, %dma_start3A_66] : memref<1000x128xf32, #tpu.memory_space<vmem_shared>> -> memref<1000x128xf32, #tpu.memory_space<vmem_shared>>
    tpu.enqueue_indirect_dma source(%dma_start3A_67 : memref<1000x128xf32, #tpu.memory_space<vmem_shared>>) target(%arg11 : memref<128x128xf32, #tpu.memory_space<vmem>>) offsets(%dma_start3A_64 : memref<128xi32, #tpu.memory_space<vmem>>) semaphore(%arg16 : memref<!tpu.dma_semaphore, #tpu.memory_space<semaphore_mem>>)
    %scan3A = arith.constant 0 : i32
    %scan3A_68 = arith.constant 0 : i32
    %scan3A_69 = arith.constant 9 : i32
    %scan3A_70 = arith.addi %scan3A_68, %scan3A_69 : i32
    %scan3A_71 = arith.constant 1 : i32
    scf.for %scan3A_142 = %scan3A_68 to %scan3A_70 step %scan3A_71  : i32 {
      %mul3A_143 = arith.constant 5 : i32
      %mul3A_144 = arith.muli %scan3A_142, %mul3A_143 : i32
      %add3A_145 = arith.constant 2 : i32
      %add3A_146 = arith.addi %add3A_145, %mul3A_144 : i32
      %add3A_147 = arith.constant 0 : i32
      %add3A_148 = arith.addi %add3A_146, %add3A_147 : i32
      %sub3A = arith.constant 2 : i32
      %sub3A_149 = arith.subi %add3A_148, %sub3A : i32
      %mul3A_150 = arith.constant 128 : i32
      %mul3A_151 = arith.muli %sub3A_149, %mul3A_150 : i32
      %add3A_152 = arith.addi %mul3A_2, %mul3A_151 : i32
      %dma_wait3A_153 = arith.constant 0 : i32
      %dma_wait3A_154 = tpu.memref_slice %arg4[%add3A_152, %dma_wait3A_153] : memref<204800x128xf32, #tpu.memory_space<hbm>> -> memref<128x128xf32, #tpu.memory_space<hbm>>
      %dma_wait3A_155 = arith.constant 0 : i32
      %dma_wait3A_156 = tpu.memref_slice %arg4[%add3A_152, %dma_wait3A_155] : memref<204800x128xf32, #tpu.memory_space<hbm>> -> memref<128x128xf32, #tpu.memory_space<hbm>>
      tpu.wait_dma2 semaphore(%arg17 : memref<!tpu.dma_semaphore, #tpu.memory_space<semaphore_mem>>) src(%arg7 : memref<128x128xf32, #tpu.memory_space<vmem>>) dst(%dma_wait3A_156 : memref<128x128xf32, #tpu.memory_space<hbm>>)
      %add3A_157 = arith.constant 3 : i32
      %add3A_158 = arith.addi %add3A_148, %add3A_157 : i32
      %dma_start3A_159 = arith.constant 0 : i32
      %dma_start3A_160 = tpu.memref_slice %arg5[%add3A_158, %dma_start3A_159] : memref<50x128xi32, #tpu.memory_space<vmem>> -> memref<1x128xi32, #tpu.memory_space<vmem>>
      %dma_start3A_161 = tpu.memref_squeeze %dma_start3A_160 : memref<1x128xi32, #tpu.memory_space<vmem>> -> memref<128xi32, #tpu.memory_space<vmem>>
      %dma_start3A_162 = arith.constant 0 : i32
      %dma_start3A_163 = arith.constant 0 : i32
      %dma_start3A_164 = tpu.memref_slice %arg6[%dma_start3A_162, %dma_start3A_163] : memref<1000x128xf32, #tpu.memory_space<vmem_shared>> -> memref<1000x128xf32, #tpu.memory_space<vmem_shared>>
      tpu.enqueue_indirect_dma source(%dma_start3A_164 : memref<1000x128xf32, #tpu.memory_space<vmem_shared>>) target(%arg7 : memref<128x128xf32, #tpu.memory_space<vmem>>) offsets(%dma_start3A_161 : memref<128xi32, #tpu.memory_space<vmem>>) semaphore(%arg12 : memref<!tpu.dma_semaphore, #tpu.memory_space<semaphore_mem>>)
      %dma_wait3A_165 = arith.constant 0 : i32
      %dma_wait3A_166 = tpu.memref_slice %arg5[%add3A_148, %dma_wait3A_165] : memref<50x128xi32, #tpu.memory_space<vmem>> -> memref<1x128xi32, #tpu.memory_space<vmem>>
      %dma_wait3A_167 = tpu.memref_squeeze %dma_wait3A_166 : memref<1x128xi32, #tpu.memory_space<vmem>> -> memref<128xi32, #tpu.memory_space<vmem>>
      %dma_wait3A_168 = arith.constant 0 : i32
      %dma_wait3A_169 = arith.constant 0 : i32
      %dma_wait3A_170 = tpu.memref_slice %arg6[%dma_wait3A_168, %dma_wait3A_169] : memref<1000x128xf32, #tpu.memory_space<vmem_shared>> -> memref<1000x128xf32, #tpu.memory_space<vmem_shared>>
      tpu.wait_indirect_dma semaphore(%arg14 : memref<!tpu.dma_semaphore, #tpu.memory_space<semaphore_mem>>) src(%dma_wait3A_170 : memref<1000x128xf32, #tpu.memory_space<vmem_shared>>) dst(%arg9 : memref<128x128xf32, #tpu.memory_space<vmem>>)
      %mul3A_171 = arith.constant 128 : i32
      %mul3A_172 = arith.muli %add3A_148, %mul3A_171 : i32
      %add3A_173 = arith.addi %mul3A_2, %mul3A_172 : i32
      %dma_start3A_174 = arith.constant 0 : i32
      %dma_start3A_175 = tpu.memref_slice %arg4[%add3A_173, %dma_start3A_174] : memref<204800x128xf32, #tpu.memory_space<hbm>> -> memref<128x128xf32, #tpu.memory_space<hbm>>
      %dma_start3A_176 = arith.constant 0 : i32
      %dma_start3A_177 = tpu.memref_slice %arg4[%add3A_173, %dma_start3A_176] : memref<204800x128xf32, #tpu.memory_space<hbm>> -> memref<128x128xf32, #tpu.memory_space<hbm>>
      tpu.enqueue_dma source(%arg9 : memref<128x128xf32, #tpu.memory_space<vmem>>) target(%dma_start3A_177 : memref<128x128xf32, #tpu.memory_space<hbm>>) target_semaphore(%arg19 : memref<!tpu.dma_semaphore, #tpu.memory_space<semaphore_mem>>)
      %add3A_178 = arith.constant 1 : i32
      %add3A_179 = arith.addi %add3A_146, %add3A_178 : i32
      %sub3A_180 = arith.constant 2 : i32
      %sub3A_181 = arith.subi %add3A_179, %sub3A_180 : i32
      %mul3A_182 = arith.constant 128 : i32
      %mul3A_183 = arith.muli %sub3A_181, %mul3A_182 : i32
      %add3A_184 = arith.addi %mul3A_2, %mul3A_183 : i32
      %dma_wait3A_185 = arith.constant 0 : i32
      %dma_wait3A_186 = tpu.memref_slice %arg4[%add3A_184, %dma_wait3A_185] : memref<204800x128xf32, #tpu.memory_space<hbm>> -> memref<128x128xf32, #tpu.memory_space<hbm>>
      %dma_wait3A_187 = arith.constant 0 : i32
      %dma_wait3A_188 = tpu.memref_slice %arg4[%add3A_184, %dma_wait3A_187] : memref<204800x128xf32, #tpu.memory_space<hbm>> -> memref<128x128xf32, #tpu.memory_space<hbm>>
      tpu.wait_dma2 semaphore(%arg18 : memref<!tpu.dma_semaphore, #tpu.memory_space<semaphore_mem>>) src(%arg8 : memref<128x128xf32, #tpu.memory_space<vmem>>) dst(%dma_wait3A_188 : memref<128x128xf32, #tpu.memory_space<hbm>>)
      %add3A_189 = arith.constant 3 : i32
      %add3A_190 = arith.addi %add3A_179, %add3A_189 : i32
      %dma_start3A_191 = arith.constant 0 : i32
      %dma_start3A_192 = tpu.memref_slice %arg5[%add3A_190, %dma_start3A_191] : memref<50x128xi32, #tpu.memory_space<vmem>> -> memref<1x128xi32, #tpu.memory_space<vmem>>
      %dma_start3A_193 = tpu.memref_squeeze %dma_start3A_192 : memref<1x128xi32, #tpu.memory_space<vmem>> -> memref<128xi32, #tpu.memory_space<vmem>>
      %dma_start3A_194 = arith.constant 0 : i32
      %dma_start3A_195 = arith.constant 0 : i32
      %dma_start3A_196 = tpu.memref_slice %arg6[%dma_start3A_194, %dma_start3A_195] : memref<1000x128xf32, #tpu.memory_space<vmem_shared>> -> memref<1000x128xf32, #tpu.memory_space<vmem_shared>>
      tpu.enqueue_indirect_dma source(%dma_start3A_196 : memref<1000x128xf32, #tpu.memory_space<vmem_shared>>) target(%arg8 : memref<128x128xf32, #tpu.memory_space<vmem>>) offsets(%dma_start3A_193 : memref<128xi32, #tpu.memory_space<vmem>>) semaphore(%arg13 : memref<!tpu.dma_semaphore, #tpu.memory_space<semaphore_mem>>)
      %dma_wait3A_197 = arith.constant 0 : i32
      %dma_wait3A_198 = tpu.memref_slice %arg5[%add3A_179, %dma_wait3A_197] : memref<50x128xi32, #tpu.memory_space<vmem>> -> memref<1x128xi32, #tpu.memory_space<vmem>>
      %dma_wait3A_199 = tpu.memref_squeeze %dma_wait3A_198 : memref<1x128xi32, #tpu.memory_space<vmem>> -> memref<128xi32, #tpu.memory_space<vmem>>
      %dma_wait3A_200 = arith.constant 0 : i32
      %dma_wait3A_201 = arith.constant 0 : i32
      %dma_wait3A_202 = tpu.memref_slice %arg6[%dma_wait3A_200, %dma_wait3A_201] : memref<1000x128xf32, #tpu.memory_space<vmem_shared>> -> memref<1000x128xf32, #tpu.memory_space<vmem_shared>>
      tpu.wait_indirect_dma semaphore(%arg15 : memref<!tpu.dma_semaphore, #tpu.memory_space<semaphore_mem>>) src(%dma_wait3A_202 : memref<1000x128xf32, #tpu.memory_space<vmem_shared>>) dst(%arg10 : memref<128x128xf32, #tpu.memory_space<vmem>>)
      %mul3A_203 = arith.constant 128 : i32
      %mul3A_204 = arith.muli %add3A_179, %mul3A_203 : i32
      %add3A_205 = arith.addi %mul3A_2, %mul3A_204 : i32
      %dma_start3A_206 = arith.constant 0 : i32
      %dma_start3A_207 = tpu.memref_slice %arg4[%add3A_205, %dma_start3A_206] : memref<204800x128xf32, #tpu.memory_space<hbm>> -> memref<128x128xf32, #tpu.memory_space<hbm>>
      %dma_start3A_208 = arith.constant 0 : i32
      %dma_start3A_209 = tpu.memref_slice %arg4[%add3A_205, %dma_start3A_208] : memref<204800x128xf32, #tpu.memory_space<hbm>> -> memref<128x128xf32, #tpu.memory_space<hbm>>
      tpu.enqueue_dma source(%arg10 : memref<128x128xf32, #tpu.memory_space<vmem>>) target(%dma_start3A_209 : memref<128x128xf32, #tpu.memory_space<hbm>>) target_semaphore(%arg20 : memref<!tpu.dma_semaphore, #tpu.memory_space<semaphore_mem>>)
      %add3A_210 = arith.constant 2 : i32
      %add3A_211 = arith.addi %add3A_146, %add3A_210 : i32
      %sub3A_212 = arith.constant 2 : i32
      %sub3A_213 = arith.subi %add3A_211, %sub3A_212 : i32
      %mul3A_214 = arith.constant 128 : i32
      %mul3A_215 = arith.muli %sub3A_213, %mul3A_214 : i32
      %add3A_216 = arith.addi %mul3A_2, %mul3A_215 : i32
      %dma_wait3A_217 = arith.constant 0 : i32
      %dma_wait3A_218 = tpu.memref_slice %arg4[%add3A_216, %dma_wait3A_217] : memref<204800x128xf32, #tpu.memory_space<hbm>> -> memref<128x128xf32, #tpu.memory_space<hbm>>
      %dma_wait3A_219 = arith.constant 0 : i32
      %dma_wait3A_220 = tpu.memref_slice %arg4[%add3A_216, %dma_wait3A_219] : memref<204800x128xf32, #tpu.memory_space<hbm>> -> memref<128x128xf32, #tpu.memory_space<hbm>>
      tpu.wait_dma2 semaphore(%arg19 : memref<!tpu.dma_semaphore, #tpu.memory_space<semaphore_mem>>) src(%arg9 : memref<128x128xf32, #tpu.memory_space<vmem>>) dst(%dma_wait3A_220 : memref<128x128xf32, #tpu.memory_space<hbm>>)
      %add3A_221 = arith.constant 3 : i32
      %add3A_222 = arith.addi %add3A_211, %add3A_221 : i32
      %dma_start3A_223 = arith.constant 0 : i32
      %dma_start3A_224 = tpu.memref_slice %arg5[%add3A_222, %dma_start3A_223] : memref<50x128xi32, #tpu.memory_space<vmem>> -> memref<1x128xi32, #tpu.memory_space<vmem>>
      %dma_start3A_225 = tpu.memref_squeeze %dma_start3A_224 : memref<1x128xi32, #tpu.memory_space<vmem>> -> memref<128xi32, #tpu.memory_space<vmem>>
      %dma_start3A_226 = arith.constant 0 : i32
      %dma_start3A_227 = arith.constant 0 : i32
      %dma_start3A_228 = tpu.memref_slice %arg6[%dma_start3A_226, %dma_start3A_227] : memref<1000x128xf32, #tpu.memory_space<vmem_shared>> -> memref<1000x128xf32, #tpu.memory_space<vmem_shared>>
      tpu.enqueue_indirect_dma source(%dma_start3A_228 : memref<1000x128xf32, #tpu.memory_space<vmem_shared>>) target(%arg9 : memref<128x128xf32, #tpu.memory_space<vmem>>) offsets(%dma_start3A_225 : memref<128xi32, #tpu.memory_space<vmem>>) semaphore(%arg14 : memref<!tpu.dma_semaphore, #tpu.memory_space<semaphore_mem>>)
      %dma_wait3A_229 = arith.constant 0 : i32
      %dma_wait3A_230 = tpu.memref_slice %arg5[%add3A_211, %dma_wait3A_229] : memref<50x128xi32, #tpu.memory_space<vmem>> -> memref<1x128xi32, #tpu.memory_space<vmem>>
      %dma_wait3A_231 = tpu.memref_squeeze %dma_wait3A_230 : memref<1x128xi32, #tpu.memory_space<vmem>> -> memref<128xi32, #tpu.memory_space<vmem>>
      %dma_wait3A_232 = arith.constant 0 : i32
      %dma_wait3A_233 = arith.constant 0 : i32
      %dma_wait3A_234 = tpu.memref_slice %arg6[%dma_wait3A_232, %dma_wait3A_233] : memref<1000x128xf32, #tpu.memory_space<vmem_shared>> -> memref<1000x128xf32, #tpu.memory_space<vmem_shared>>
      tpu.wait_indirect_dma semaphore(%arg16 : memref<!tpu.dma_semaphore, #tpu.memory_space<semaphore_mem>>) src(%dma_wait3A_234 : memref<1000x128xf32, #tpu.memory_space<vmem_shared>>) dst(%arg11 : memref<128x128xf32, #tpu.memory_space<vmem>>)
      %mul3A_235 = arith.constant 128 : i32
      %mul3A_236 = arith.muli %add3A_211, %mul3A_235 : i32
      %add3A_237 = arith.addi %mul3A_2, %mul3A_236 : i32
      %dma_start3A_238 = arith.constant 0 : i32
      %dma_start3A_239 = tpu.memref_slice %arg4[%add3A_237, %dma_start3A_238] : memref<204800x128xf32, #tpu.memory_space<hbm>> -> memref<128x128xf32, #tpu.memory_space<hbm>>
      %dma_start3A_240 = arith.constant 0 : i32
      %dma_start3A_241 = tpu.memref_slice %arg4[%add3A_237, %dma_start3A_240] : memref<204800x128xf32, #tpu.memory_space<hbm>> -> memref<128x128xf32, #tpu.memory_space<hbm>>
      tpu.enqueue_dma source(%arg11 : memref<128x128xf32, #tpu.memory_space<vmem>>) target(%dma_start3A_241 : memref<128x128xf32, #tpu.memory_space<hbm>>) target_semaphore(%arg21 : memref<!tpu.dma_semaphore, #tpu.memory_space<semaphore_mem>>)
      %add3A_242 = arith.constant 3 : i32
      %add3A_243 = arith.addi %add3A_146, %add3A_242 : i32
      %sub3A_244 = arith.constant 2 : i32
      %sub3A_245 = arith.subi %add3A_243, %sub3A_244 : i32
      %mul3A_246 = arith.constant 128 : i32
      %mul3A_247 = arith.muli %sub3A_245, %mul3A_246 : i32
      %add3A_248 = arith.addi %mul3A_2, %mul3A_247 : i32
      %dma_wait3A_249 = arith.constant 0 : i32
      %dma_wait3A_250 = tpu.memref_slice %arg4[%add3A_248, %dma_wait3A_249] : memref<204800x128xf32, #tpu.memory_space<hbm>> -> memref<128x128xf32, #tpu.memory_space<hbm>>
      %dma_wait3A_251 = arith.constant 0 : i32
      %dma_wait3A_252 = tpu.memref_slice %arg4[%add3A_248, %dma_wait3A_251] : memref<204800x128xf32, #tpu.memory_space<hbm>> -> memref<128x128xf32, #tpu.memory_space<hbm>>
      tpu.wait_dma2 semaphore(%arg20 : memref<!tpu.dma_semaphore, #tpu.memory_space<semaphore_mem>>) src(%arg10 : memref<128x128xf32, #tpu.memory_space<vmem>>) dst(%dma_wait3A_252 : memref<128x128xf32, #tpu.memory_space<hbm>>)
      %add3A_253 = arith.constant 3 : i32
      %add3A_254 = arith.addi %add3A_243, %add3A_253 : i32
      %dma_start3A_255 = arith.constant 0 : i32
      %dma_start3A_256 = tpu.memref_slice %arg5[%add3A_254, %dma_start3A_255] : memref<50x128xi32, #tpu.memory_space<vmem>> -> memref<1x128xi32, #tpu.memory_space<vmem>>
      %dma_start3A_257 = tpu.memref_squeeze %dma_start3A_256 : memref<1x128xi32, #tpu.memory_space<vmem>> -> memref<128xi32, #tpu.memory_space<vmem>>
      %dma_start3A_258 = arith.constant 0 : i32
      %dma_start3A_259 = arith.constant 0 : i32
      %dma_start3A_260 = tpu.memref_slice %arg6[%dma_start3A_258, %dma_start3A_259] : memref<1000x128xf32, #tpu.memory_space<vmem_shared>> -> memref<1000x128xf32, #tpu.memory_space<vmem_shared>>
      tpu.enqueue_indirect_dma source(%dma_start3A_260 : memref<1000x128xf32, #tpu.memory_space<vmem_shared>>) target(%arg10 : memref<128x128xf32, #tpu.memory_space<vmem>>) offsets(%dma_start3A_257 : memref<128xi32, #tpu.memory_space<vmem>>) semaphore(%arg15 : memref<!tpu.dma_semaphore, #tpu.memory_space<semaphore_mem>>)
      %dma_wait3A_261 = arith.constant 0 : i32
      %dma_wait3A_262 = tpu.memref_slice %arg5[%add3A_243, %dma_wait3A_261] : memref<50x128xi32, #tpu.memory_space<vmem>> -> memref<1x128xi32, #tpu.memory_space<vmem>>
      %dma_wait3A_263 = tpu.memref_squeeze %dma_wait3A_262 : memref<1x128xi32, #tpu.memory_space<vmem>> -> memref<128xi32, #tpu.memory_space<vmem>>
      %dma_wait3A_264 = arith.constant 0 : i32
      %dma_wait3A_265 = arith.constant 0 : i32
      %dma_wait3A_266 = tpu.memref_slice %arg6[%dma_wait3A_264, %dma_wait3A_265] : memref<1000x128xf32, #tpu.memory_space<vmem_shared>> -> memref<1000x128xf32, #tpu.memory_space<vmem_shared>>
      tpu.wait_indirect_dma semaphore(%arg12 : memref<!tpu.dma_semaphore, #tpu.memory_space<semaphore_mem>>) src(%dma_wait3A_266 : memref<1000x128xf32, #tpu.memory_space<vmem_shared>>) dst(%arg7 : memref<128x128xf32, #tpu.memory_space<vmem>>)
      %mul3A_267 = arith.constant 128 : i32
      %mul3A_268 = arith.muli %add3A_243, %mul3A_267 : i32
      %add3A_269 = arith.addi %mul3A_2, %mul3A_268 : i32
      %dma_start3A_270 = arith.constant 0 : i32
      %dma_start3A_271 = tpu.memref_slice %arg4[%add3A_269, %dma_start3A_270] : memref<204800x128xf32, #tpu.memory_space<hbm>> -> memref<128x128xf32, #tpu.memory_space<hbm>>
      %dma_start3A_272 = arith.constant 0 : i32
      %dma_start3A_273 = tpu.memref_slice %arg4[%add3A_269, %dma_start3A_272] : memref<204800x128xf32, #tpu.memory_space<hbm>> -> memref<128x128xf32, #tpu.memory_space<hbm>>
      tpu.enqueue_dma source(%arg7 : memref<128x128xf32, #tpu.memory_space<vmem>>) target(%dma_start3A_273 : memref<128x128xf32, #tpu.memory_space<hbm>>) target_semaphore(%arg17 : memref<!tpu.dma_semaphore, #tpu.memory_space<semaphore_mem>>)
      %add3A_274 = arith.constant 4 : i32
      %add3A_275 = arith.addi %add3A_146, %add3A_274 : i32
      %sub3A_276 = arith.constant 2 : i32
      %sub3A_277 = arith.subi %add3A_275, %sub3A_276 : i32
      %mul3A_278 = arith.constant 128 : i32
      %mul3A_279 = arith.muli %sub3A_277, %mul3A_278 : i32
      %add3A_280 = arith.addi %mul3A_2, %mul3A_279 : i32
      %dma_wait3A_281 = arith.constant 0 : i32
      %dma_wait3A_282 = tpu.memref_slice %arg4[%add3A_280, %dma_wait3A_281] : memref<204800x128xf32, #tpu.memory_space<hbm>> -> memref<128x128xf32, #tpu.memory_space<hbm>>
      %dma_wait3A_283 = arith.constant 0 : i32
      %dma_wait3A_284 = tpu.memref_slice %arg4[%add3A_280, %dma_wait3A_283] : memref<204800x128xf32, #tpu.memory_space<hbm>> -> memref<128x128xf32, #tpu.memory_space<hbm>>
      tpu.wait_dma2 semaphore(%arg21 : memref<!tpu.dma_semaphore, #tpu.memory_space<semaphore_mem>>) src(%arg11 : memref<128x128xf32, #tpu.memory_space<vmem>>) dst(%dma_wait3A_284 : memref<128x128xf32, #tpu.memory_space<hbm>>)
      %add3A_285 = arith.constant 3 : i32
      %add3A_286 = arith.addi %add3A_275, %add3A_285 : i32
      %dma_start3A_287 = arith.constant 0 : i32
      %dma_start3A_288 = tpu.memref_slice %arg5[%add3A_286, %dma_start3A_287] : memref<50x128xi32, #tpu.memory_space<vmem>> -> memref<1x128xi32, #tpu.memory_space<vmem>>
      %dma_start3A_289 = tpu.memref_squeeze %dma_start3A_288 : memref<1x128xi32, #tpu.memory_space<vmem>> -> memref<128xi32, #tpu.memory_space<vmem>>
      %dma_start3A_290 = arith.constant 0 : i32
      %dma_start3A_291 = arith.constant 0 : i32
      %dma_start3A_292 = tpu.memref_slice %arg6[%dma_start3A_290, %dma_start3A_291] : memref<1000x128xf32, #tpu.memory_space<vmem_shared>> -> memref<1000x128xf32, #tpu.memory_space<vmem_shared>>
      tpu.enqueue_indirect_dma source(%dma_start3A_292 : memref<1000x128xf32, #tpu.memory_space<vmem_shared>>) target(%arg11 : memref<128x128xf32, #tpu.memory_space<vmem>>) offsets(%dma_start3A_289 : memref<128xi32, #tpu.memory_space<vmem>>) semaphore(%arg16 : memref<!tpu.dma_semaphore, #tpu.memory_space<semaphore_mem>>)
      %dma_wait3A_293 = arith.constant 0 : i32
      %dma_wait3A_294 = tpu.memref_slice %arg5[%add3A_275, %dma_wait3A_293] : memref<50x128xi32, #tpu.memory_space<vmem>> -> memref<1x128xi32, #tpu.memory_space<vmem>>
      %dma_wait3A_295 = tpu.memref_squeeze %dma_wait3A_294 : memref<1x128xi32, #tpu.memory_space<vmem>> -> memref<128xi32, #tpu.memory_space<vmem>>
      %dma_wait3A_296 = arith.constant 0 : i32
      %dma_wait3A_297 = arith.constant 0 : i32
      %dma_wait3A_298 = tpu.memref_slice %arg6[%dma_wait3A_296, %dma_wait3A_297] : memref<1000x128xf32, #tpu.memory_space<vmem_shared>> -> memref<1000x128xf32, #tpu.memory_space<vmem_shared>>
      tpu.wait_indirect_dma semaphore(%arg13 : memref<!tpu.dma_semaphore, #tpu.memory_space<semaphore_mem>>) src(%dma_wait3A_298 : memref<1000x128xf32, #tpu.memory_space<vmem_shared>>) dst(%arg8 : memref<128x128xf32, #tpu.memory_space<vmem>>)
      %mul3A_299 = arith.constant 128 : i32
      %mul3A_300 = arith.muli %add3A_275, %mul3A_299 : i32
      %add3A_301 = arith.addi %mul3A_2, %mul3A_300 : i32
      %dma_start3A_302 = arith.constant 0 : i32
      %dma_start3A_303 = tpu.memref_slice %arg4[%add3A_301, %dma_start3A_302] : memref<204800x128xf32, #tpu.memory_space<hbm>> -> memref<128x128xf32, #tpu.memory_space<hbm>>
      %dma_start3A_304 = arith.constant 0 : i32
      %dma_start3A_305 = tpu.memref_slice %arg4[%add3A_301, %dma_start3A_304] : memref<204800x128xf32, #tpu.memory_space<hbm>> -> memref<128x128xf32, #tpu.memory_space<hbm>>
      tpu.enqueue_dma source(%arg8 : memref<128x128xf32, #tpu.memory_space<vmem>>) target(%dma_start3A_305 : memref<128x128xf32, #tpu.memory_space<hbm>>) target_semaphore(%arg18 : memref<!tpu.dma_semaphore, #tpu.memory_space<semaphore_mem>>)
    }
    %scan3A_72 = arith.constant 9 : i32
    %dma_wait3A_73 = arith.constant 47 : i32
    %dma_wait3A_74 = arith.constant 0 : i32
    %dma_wait3A_75 = tpu.memref_slice %arg5[%dma_wait3A_73, %dma_wait3A_74] : memref<50x128xi32, #tpu.memory_space<vmem>> -> memref<1x128xi32, #tpu.memory_space<vmem>>
    %dma_wait3A_76 = tpu.memref_squeeze %dma_wait3A_75 : memref<1x128xi32, #tpu.memory_space<vmem>> -> memref<128xi32, #tpu.memory_space<vmem>>
    %dma_wait3A_77 = arith.constant 0 : i32
    %dma_wait3A_78 = arith.constant 0 : i32
    %dma_wait3A_79 = tpu.memref_slice %arg6[%dma_wait3A_77, %dma_wait3A_78] : memref<1000x128xf32, #tpu.memory_space<vmem_shared>> -> memref<1000x128xf32, #tpu.memory_space<vmem_shared>>
    tpu.wait_indirect_dma semaphore(%arg14 : memref<!tpu.dma_semaphore, #tpu.memory_space<semaphore_mem>>) src(%dma_wait3A_79 : memref<1000x128xf32, #tpu.memory_space<vmem_shared>>) dst(%arg9 : memref<128x128xf32, #tpu.memory_space<vmem>>)
    %add3A_80 = arith.constant 6016 : i32
    %add3A_81 = arith.addi %mul3A_2, %add3A_80 : i32
    %dma_start3A_82 = arith.constant 0 : i32
    %dma_start3A_83 = tpu.memref_slice %arg4[%add3A_81, %dma_start3A_82] : memref<204800x128xf32, #tpu.memory_space<hbm>> -> memref<128x128xf32, #tpu.memory_space<hbm>>
    %dma_start3A_84 = arith.constant 0 : i32
    %dma_start3A_85 = tpu.memref_slice %arg4[%add3A_81, %dma_start3A_84] : memref<204800x128xf32, #tpu.memory_space<hbm>> -> memref<128x128xf32, #tpu.memory_space<hbm>>
    tpu.enqueue_dma source(%arg9 : memref<128x128xf32, #tpu.memory_space<vmem>>) target(%dma_start3A_85 : memref<128x128xf32, #tpu.memory_space<hbm>>) target_semaphore(%arg19 : memref<!tpu.dma_semaphore, #tpu.memory_space<semaphore_mem>>)
    %dma_wait3A_86 = arith.constant 48 : i32
    %dma_wait3A_87 = arith.constant 0 : i32
    %dma_wait3A_88 = tpu.memref_slice %arg5[%dma_wait3A_86, %dma_wait3A_87] : memref<50x128xi32, #tpu.memory_space<vmem>> -> memref<1x128xi32, #tpu.memory_space<vmem>>
    %dma_wait3A_89 = tpu.memref_squeeze %dma_wait3A_88 : memref<1x128xi32, #tpu.memory_space<vmem>> -> memref<128xi32, #tpu.memory_space<vmem>>
    %dma_wait3A_90 = arith.constant 0 : i32
    %dma_wait3A_91 = arith.constant 0 : i32
    %dma_wait3A_92 = tpu.memref_slice %arg6[%dma_wait3A_90, %dma_wait3A_91] : memref<1000x128xf32, #tpu.memory_space<vmem_shared>> -> memref<1000x128xf32, #tpu.memory_space<vmem_shared>>
    tpu.wait_indirect_dma semaphore(%arg15 : memref<!tpu.dma_semaphore, #tpu.memory_space<semaphore_mem>>) src(%dma_wait3A_92 : memref<1000x128xf32, #tpu.memory_space<vmem_shared>>) dst(%arg10 : memref<128x128xf32, #tpu.memory_space<vmem>>)
    %add3A_93 = arith.constant 6144 : i32
    %add3A_94 = arith.addi %mul3A_2, %add3A_93 : i32
    %dma_start3A_95 = arith.constant 0 : i32
    %dma_start3A_96 = tpu.memref_slice %arg4[%add3A_94, %dma_start3A_95] : memref<204800x128xf32, #tpu.memory_space<hbm>> -> memref<128x128xf32, #tpu.memory_space<hbm>>
    %dma_start3A_97 = arith.constant 0 : i32
    %dma_start3A_98 = tpu.memref_slice %arg4[%add3A_94, %dma_start3A_97] : memref<204800x128xf32, #tpu.memory_space<hbm>> -> memref<128x128xf32, #tpu.memory_space<hbm>>
    tpu.enqueue_dma source(%arg10 : memref<128x128xf32, #tpu.memory_space<vmem>>) target(%dma_start3A_98 : memref<128x128xf32, #tpu.memory_space<hbm>>) target_semaphore(%arg20 : memref<!tpu.dma_semaphore, #tpu.memory_space<semaphore_mem>>)
    %dma_wait3A_99 = arith.constant 49 : i32
    %dma_wait3A_100 = arith.constant 0 : i32
    %dma_wait3A_101 = tpu.memref_slice %arg5[%dma_wait3A_99, %dma_wait3A_100] : memref<50x128xi32, #tpu.memory_space<vmem>> -> memref<1x128xi32, #tpu.memory_space<vmem>>
    %dma_wait3A_102 = tpu.memref_squeeze %dma_wait3A_101 : memref<1x128xi32, #tpu.memory_space<vmem>> -> memref<128xi32, #tpu.memory_space<vmem>>
    %dma_wait3A_103 = arith.constant 0 : i32
    %dma_wait3A_104 = arith.constant 0 : i32
    %dma_wait3A_105 = tpu.memref_slice %arg6[%dma_wait3A_103, %dma_wait3A_104] : memref<1000x128xf32, #tpu.memory_space<vmem_shared>> -> memref<1000x128xf32, #tpu.memory_space<vmem_shared>>
    tpu.wait_indirect_dma semaphore(%arg16 : memref<!tpu.dma_semaphore, #tpu.memory_space<semaphore_mem>>) src(%dma_wait3A_105 : memref<1000x128xf32, #tpu.memory_space<vmem_shared>>) dst(%arg11 : memref<128x128xf32, #tpu.memory_space<vmem>>)
    %add3A_106 = arith.constant 6272 : i32
    %add3A_107 = arith.addi %mul3A_2, %add3A_106 : i32
    %dma_start3A_108 = arith.constant 0 : i32
    %dma_start3A_109 = tpu.memref_slice %arg4[%add3A_107, %dma_start3A_108] : memref<204800x128xf32, #tpu.memory_space<hbm>> -> memref<128x128xf32, #tpu.memory_space<hbm>>
    %dma_start3A_110 = arith.constant 0 : i32
    %dma_start3A_111 = tpu.memref_slice %arg4[%add3A_107, %dma_start3A_110] : memref<204800x128xf32, #tpu.memory_space<hbm>> -> memref<128x128xf32, #tpu.memory_space<hbm>>
    tpu.enqueue_dma source(%arg11 : memref<128x128xf32, #tpu.memory_space<vmem>>) target(%dma_start3A_111 : memref<128x128xf32, #tpu.memory_space<hbm>>) target_semaphore(%arg21 : memref<!tpu.dma_semaphore, #tpu.memory_space<semaphore_mem>>)
    %add3A_112 = arith.constant 5760 : i32
    %add3A_113 = arith.addi %mul3A_2, %add3A_112 : i32
    %dma_wait3A_114 = arith.constant 0 : i32
    %dma_wait3A_115 = tpu.memref_slice %arg4[%add3A_113, %dma_wait3A_114] : memref<204800x128xf32, #tpu.memory_space<hbm>> -> memref<128x128xf32, #tpu.memory_space<hbm>>
    %dma_wait3A_116 = arith.constant 0 : i32
    %dma_wait3A_117 = tpu.memref_slice %arg4[%add3A_113, %dma_wait3A_116] : memref<204800x128xf32, #tpu.memory_space<hbm>> -> memref<128x128xf32, #tpu.memory_space<hbm>>
    tpu.wait_dma2 semaphore(%arg17 : memref<!tpu.dma_semaphore, #tpu.memory_space<semaphore_mem>>) src(%arg7 : memref<128x128xf32, #tpu.memory_space<vmem>>) dst(%dma_wait3A_117 : memref<128x128xf32, #tpu.memory_space<hbm>>)
    %add3A_118 = arith.constant 5888 : i32
    %add3A_119 = arith.addi %mul3A_2, %add3A_118 : i32
    %dma_wait3A_120 = arith.constant 0 : i32
    %dma_wait3A_121 = tpu.memref_slice %arg4[%add3A_119, %dma_wait3A_120] : memref<204800x128xf32, #tpu.memory_space<hbm>> -> memref<128x128xf32, #tpu.memory_space<hbm>>
    %dma_wait3A_122 = arith.constant 0 : i32
    %dma_wait3A_123 = tpu.memref_slice %arg4[%add3A_119, %dma_wait3A_122] : memref<204800x128xf32, #tpu.memory_space<hbm>> -> memref<128x128xf32, #tpu.memory_space<hbm>>
    tpu.wait_dma2 semaphore(%arg18 : memref<!tpu.dma_semaphore, #tpu.memory_space<semaphore_mem>>) src(%arg8 : memref<128x128xf32, #tpu.memory_space<vmem>>) dst(%dma_wait3A_123 : memref<128x128xf32, #tpu.memory_space<hbm>>)
    %add3A_124 = arith.constant 6016 : i32
    %add3A_125 = arith.addi %mul3A_2, %add3A_124 : i32
    %dma_wait3A_126 = arith.constant 0 : i32
    %dma_wait3A_127 = tpu.memref_slice %arg4[%add3A_125, %dma_wait3A_126] : memref<204800x128xf32, #tpu.memory_space<hbm>> -> memref<128x128xf32, #tpu.memory_space<hbm>>
    %dma_wait3A_128 = arith.constant 0 : i32
    %dma_wait3A_129 = tpu.memref_slice %arg4[%add3A_125, %dma_wait3A_128] : memref<204800x128xf32, #tpu.memory_space<hbm>> -> memref<128x128xf32, #tpu.memory_space<hbm>>
    tpu.wait_dma2 semaphore(%arg19 : memref<!tpu.dma_semaphore, #tpu.memory_space<semaphore_mem>>) src(%arg9 : memref<128x128xf32, #tpu.memory_space<vmem>>) dst(%dma_wait3A_129 : memref<128x128xf32, #tpu.memory_space<hbm>>)
    %add3A_130 = arith.constant 6144 : i32
    %add3A_131 = arith.addi %mul3A_2, %add3A_130 : i32
    %dma_wait3A_132 = arith.constant 0 : i32
    %dma_wait3A_133 = tpu.memref_slice %arg4[%add3A_131, %dma_wait3A_132] : memref<204800x128xf32, #tpu.memory_space<hbm>> -> memref<128x128xf32, #tpu.memory_space<hbm>>
    %dma_wait3A_134 = arith.constant 0 : i32
    %dma_wait3A_135 = tpu.memref_slice %arg4[%add3A_131, %dma_wait3A_134] : memref<204800x128xf32, #tpu.memory_space<hbm>> -> memref<128x128xf32, #tpu.memory_space<hbm>>
    tpu.wait_dma2 semaphore(%arg20 : memref<!tpu.dma_semaphore, #tpu.memory_space<semaphore_mem>>) src(%arg10 : memref<128x128xf32, #tpu.memory_space<vmem>>) dst(%dma_wait3A_135 : memref<128x128xf32, #tpu.memory_space<hbm>>)
    %add3A_136 = arith.constant 6272 : i32
    %add3A_137 = arith.addi %mul3A_2, %add3A_136 : i32
    %dma_wait3A_138 = arith.constant 0 : i32
    %dma_wait3A_139 = tpu.memref_slice %arg4[%add3A_137, %dma_wait3A_138] : memref<204800x128xf32, #tpu.memory_space<hbm>> -> memref<128x128xf32, #tpu.memory_space<hbm>>
    %dma_wait3A_140 = arith.constant 0 : i32
    %dma_wait3A_141 = tpu.memref_slice %arg4[%add3A_137, %dma_wait3A_140] : memref<204800x128xf32, #tpu.memory_space<hbm>> -> memref<128x128xf32, #tpu.memory_space<hbm>>
    tpu.wait_dma2 semaphore(%arg21 : memref<!tpu.dma_semaphore, #tpu.memory_space<semaphore_mem>>) src(%arg11 : memref<128x128xf32, #tpu.memory_space<vmem>>) dst(%dma_wait3A_141 : memref<128x128xf32, #tpu.memory_space<hbm>>)
    return
  }
}

</mosaic_0001>

<sc_bundles>
// kernel: kernel.3.cloned.1.call-start
scs
__scs_entry_jumppad:
0x0: {  	(pc) =	sbr.rel $0x88, $3  }
0x1: {  	(tag) =	ssettag $0x0;
	lr =	simm.s32 $0x1  }
0x2: {  	[smem:$0x3F9F] =	sst lr;
	_ =	strace $0xD0000000  }
0x3: {  	_ = 	snop  }
0x4: {  	_ = 	snop  }
0x5: {  	_ = 	snop  }
0x6: {  	_ = 	snop  }
0x7: {  	_ = 	snop  }
__scs_overlays_trampoline_lowered:
0x8: {  	[smem:$0x3FAE] =	sst s0  }
0x9: {  	[smem:$0x3FAF] =	sst s1  }
0xa: {  	[smem:$0x3FB0] =	sst s2  }
0xb: {  	[smem:$0x3FB1] =	sst s3  }
0xc: {  	[smem:$0x3FB2] =	sst s4  }
0xd: {  	[smem:$0x3FB3] =	sst s5  }
0xe: {  	[smem:$0x3FB4] =	sst s6  }
0xf: {  	[smem:$0x3FB5] =	sst s7  }
0x10: {  	[smem:$0x3FB6] =	sst s8  }
0x11: {  	[smem:$0x3FB7] =	sst s9;
	s0 =	simm.s32 @!p0 $0x0  }
0x12: {  	s1 =	sld [smem:$0x3F9D];
	s0 =	simm.s32 @p0 $0x1  }
0x13: {  	[smem:$0x3FB8] =	sst s0;
	s0 =	simm.s32 @!p1 $0x0  }
0x14: {  	s2 =	sld [smem:$0x3F9C];
	s0 =	simm.s32 @p1 $0x1  }
0x15: {  	[smem:$0x3FB9] =	sst s0;
	s0 =	simm.s32 @!p2 $0x0  }
0x16: {  	s3 =	sld [smem:$0x3FDB];
	s0 =	simm.s32 @p2 $0x1  }
0x17: {  	s4 =	simm.s32 $0x1BF5;
	[smem:$0x3FBB] =	sst s0  }
0x18: {  	s0 =	sld [smem:$0x3F9E];
	_ =	swait.ge [sflag:s4], $0x0  }
0x19: {  	s7 =	sld [smem:$0x3F9F]  }
0x1a: {  	s8 =	sadd.s32 $0xFFFFE003, lr  }
0x1b: {  	s9 =	sadd.s32 $0xFFFFFEF7, lr;
	s5 =	simm.s32 $0xFFFFFFFF;
	p2 =	slt.u32 s8, $0xFFFFF086  }
0x1c: {  	p1 =	slt.u32 s9, $0xF7A;
	s5 =	simm.s32 @!p2 $0x0  }
0x1d: {  	s5 =	simm.s32 @p1 $0x1;
	p0 =	seq.s32 s7, s2  }
0x1e: {  	s7 =	smul.u32 @!p0 $0xF7A, s2;
	p2 =	seq.s32 @!p0 s5, $0x0  }
0x1f: {  	s9 =	smul.u32 $0xF7A, s1;
	s8 =	simm.s32 @!p0 $0x1BF5;
	p2 =	por !p2, p0  }
0x20: {  	[sflag:s8] =	ssyncset.s32 @!p0 $0xFFFFF086;
	s6 =	sadd.s32 @!p0 s3, s7;
	s7 =	simm.s32 @!p0 $0x108  }
0x21: {  	s3 =	sadd.s32 s3, s9;
	s6 =	sadd.s32 @!p0 $0x88, s6;
	s7 =	simm.s32 @p2 $0x1082  }
0x22: {  	[simem:s7], [sflag:s8] =	dma.local @!p0 [hbm:s6], $0xF7A  }
0x23: {  	s9 =	sor.u32 $0xD0000000, s2;
	s6 =	simm.s32 $0x108;
	_ =	swait.ge @!p0 [sflag:s8], $0x0  }
0x24: {  	s3 =	sadd.s32 $0x88, s3;
	s6 =	simm.s32 @!p1 $0x1082;
	[sflag:s4] =	ssyncset.s32 $0xFFFFF086  }
0x25: {  	[simem:s6], [sflag:s4] =	dma.local [hbm:s3], $0xF7A  }
0x26: {  	[smem:$0x3F9F] =	sst s1;
	(tag) =	ssettag s2;
	_ =	strace s9  }
0x27: {  	s1 =	sld [smem:$0x3FAF]  }
0x28: {  	s2 =	sld [smem:$0x3FB0]  }
0x29: {  	s4 =	sld [smem:$0x3FB2]  }
0x2a: {  	p0 =	seq.s32 s5, $0x0;
	s5 =	sld [smem:$0x3FB3]  }
0x2b: {  	s6 =	sld [smem:$0x3FB4]  }
0x2c: {  	s7 =	sld [smem:$0x3FB5]  }
0x2d: {  	s3 =	simm.s32 $0x108;
	s8 =	sld [smem:$0x3FB6]  }
0x2e: {  	s3 =	simm.s32 @!p0 $0x1082;
	s9 =	sld [smem:$0x3FB7]  }
0x2f: {  	lr =	sadd.s32 s0, s3;
	s0 =	sld [smem:$0x3FAE]  }
0x30: {  	s3 =	sld [smem:$0x3FB1]  }
0x31: {  	[smem:$0x3FBA] =	sst s10  }
0x32: {  	s10 =	sld [smem:$0x3FB8];
	_ =	sdelay $0x3  }
0x33: {  	p0 =	seq.s32 s10, $0x1;
	s10 =	sld [smem:$0x3FBA];
	_ =	sdelay $0x3  }
0x34: {  	[smem:$0x3FBA] =	sst s10  }
0x35: {  	s10 =	sld [smem:$0x3FB9];
	_ =	sdelay $0x3  }
0x36: {  	p1 =	seq.s32 s10, $0x1;
	s10 =	sld [smem:$0x3FBA];
	_ =	sdelay $0x3  }
0x37: {  	[smem:$0x3FBA] =	sst s10  }
0x38: {  	s10 =	sld [smem:$0x3FBB]  }
0x39: {  	_ = 	snop;
	(pc) =	sbr.ind lr, $3  }
0x3a: {  	_ = 	snop  }
0x3b: {  	_ = 	snop  }
0x3c: {  	p2 =	seq.s32 s10, $0x1;
	s10 =	sld [smem:$0x3FBA]  }
0x3d: {  	_ =	shalt  }
0x3e: {  	_ =	shalt  }
0x3f: {  	_ =	shalt  }
0x40: {  	_ =	shalt  }
0x41: {  	_ =	shalt  }
0x42: {  	_ =	shalt  }
0x43: {  	_ =	shalt  }
0x44: {  	_ =	shalt  }
0x45: {  	_ =	shalt  }
0x46: {  	_ =	shalt  }
0x47: {  	_ =	shalt  }
0x48: {  	_ =	shalt  }
0x49: {  	_ =	shalt  }
0x4a: {  	_ =	shalt  }
0x4b: {  	_ =	shalt  }
0x4c: {  	_ =	shalt  }
0x4d: {  	_ =	shalt  }
0x4e: {  	_ =	shalt  }
0x4f: {  	_ =	shalt  }
0x50: {  	_ =	shalt  }
0x51: {  	_ =	shalt  }
0x52: {  	_ =	shalt  }
0x53: {  	_ =	shalt  }
0x54: {  	_ =	shalt  }
0x55: {  	_ =	shalt  }
0x56: {  	_ =	shalt  }
0x57: {  	_ =	shalt  }
0x58: {  	_ =	shalt  }
0x59: {  	_ =	shalt  }
0x5a: {  	_ =	shalt  }
0x5b: {  	_ =	shalt  }
0x5c: {  	_ =	shalt  }
0x5d: {  	_ =	shalt  }
0x5e: {  	_ =	shalt  }
0x5f: {  	_ =	shalt  }
0x60: {  	_ =	shalt  }
0x61: {  	_ =	shalt  }
0x62: {  	_ =	shalt  }
0x63: {  	_ =	shalt  }
0x64: {  	_ =	shalt  }
0x65: {  	_ =	shalt  }
0x66: {  	_ =	shalt  }
0x67: {  	_ =	shalt  }
0x68: {  	_ =	shalt  }
0x69: {  	_ =	shalt  }
0x6a: {  	_ =	shalt  }
0x6b: {  	_ =	shalt  }
0x6c: {  	_ =	shalt  }
0x6d: {  	_ =	shalt  }
0x6e: {  	_ =	shalt  }
0x6f: {  	_ =	shalt  }
0x70: {  	_ =	shalt  }
0x71: {  	_ =	shalt  }
0x72: {  	_ =	shalt  }
0x73: {  	_ =	shalt  }
0x74: {  	_ =	shalt  }
0x75: {  	_ =	shalt  }
0x76: {  	_ =	shalt  }
0x77: {  	_ =	shalt  }
0x78: {  	_ =	shalt  }
0x79: {  	_ =	shalt  }
0x7a: {  	_ =	shalt  }
0x7b: {  	_ =	shalt  }
0x7c: {  	_ =	shalt  }
0x7d: {  	_ =	shalt  }
0x7e: {  	_ =	shalt  }
0x7f: {  	_ =	shalt  }
0x80: {  	_ =	shalt  }
0x81: {  	_ =	shalt  }
0x82: {  	_ =	shalt  }
0x83: {  	_ =	shalt  }
0x84: {  	_ =	shalt  }
0x85: {  	_ =	shalt  }
0x86: {  	_ =	shalt  }
0x87: {  	_ =	shalt  }
.Lfunc_end0:
.L_simem_size_0:
called_computation_lowered:
.L_overlay_start_0:
0x88: {  	s2 =	sld [smem:$0x3FD9]  }
0x89: {  	s3 =	sld [smem:$0x3FFE];
	_ =	sdelay $0x1  }
0x8a: {  	s1 =	srdreg.scid  }
0x8b: {  	s0 =	sand.u32 $0x1, s1  }
0x8c: {  	s17 =	sshll.u32 s0, $0xA;
	s2 =	sadd.s32 s3, s2  }
0x8d: {  	s2 =	sadd.s32 s2, s17  }
0x8e: {  	[smem:$0x3FC6] =	sst s2  }
0x8f: {  	_ = 	snop  }
0x90: {  	s2 =	sld [smem:$0x3FC8]  }
0x91: {  	s18 =	sld [smem:$0x3FD0];
	(tm) =	ssettm $0x1  }
0x92: {  	s4 =	sld [smem:$0x3FFB];
	_ =	sdelay $0x3  }
0x93: {  	_ =	strace s4  }
0x94: {  	s4 =	sld [smem:$0x3FFC];
	_ =	sdelay $0x3  }
0x95: {  	_ =	strace s4  }
0x96: {  	s4 =	sld [smem:$0x3FFD];
	_ =	sdelay $0x3  }
0x97: {  	_ =	strace s4  }
0x98: {  	_ =	strace $0x8FFFFFFF  }
0x99: {  	s19 =	sld [smem:$0x3FDB];
	_ =	sdelay $0x1  }
0x9a: {  	s5 =	simm.s32 $_scs_section_size  }
0x9b: {  	s6 =	simm.s32 $_size__tile_overlayer_lowered;
	s7 =	simm.s32 $_tile_overlayer_lowered  }
0x9c: {  	s22 =	simm.s32 $0x1BFF;
	s21 =	sshll.u32 s7, $0x1;
	s4 =	sadd.s32 s5, s19  }
0x9d: {  	s8 =	simm.s32 $0x0;
	s20 =	sshll.u32 s6, $0x1;
	s6 =	sadd.s32 s21, s4  }
0x9e: {  	[timem:s8], [sflag:s22] =	dma.local [hbm:s6], s20  }
0x9f: {  	_ =	swait.ge [sflag:s22], s20  }
0xa0: {  	s5 =	ssub.s32 $0x0, s20;
	[sflag:s22] =	ssyncset.done $0x0  }
0xa1: {  	[sflag:s22] =	ssyncadd.s32 s5;
	_ =	sdelay $0x1  }
0xa2: {  	s23 =	simm.s32 $0x1B8B  }
0xa3: {  	_ =	swait.ge [sflag:s23], $0x1  }
0xa4: {  	[sflag:s23] =	ssyncset.done $0x0  }
0xa5: {  	s25 =	simm.s32 $0x1B8E;
	s24 =	sld [smem:$0x3FFE];
	[sflag:s23] =	ssyncadd.s32 $0xFFFFFFFF  }
0xa6: {  	s26 =	simm.s32 $execute0_lowered;
	[smem:$0x3FD2] =	sst s25  }
0xa7: {  	s6 =	sshll.u32 s26, $0x1;
	_ =	strace $0x80000046;
	[dreg:$0x1] =	wrdreg $0xFFFFFFFF  }
0xa8: {  	s28 =	simm.s32 $_size_execute0_lowered;
	s4 =	sadd.s32 s4, s6;
	[dreg:$0x0] =	wrdreg $0x0  }
0xa9: {  	s6 =	sshll.u32 s28, $0x1;
	[dreg:$0x2] =	wrdreg s4  }
0xaa: {  	[dreg:$0x3] =	wrdreg s6  }
0xab: {  	[dreg:$0x4] =	wrdreg $0xC0  }
0xac: {  	_ =	task [dreg:s8], $0x5FFFF  }
0xad: {  	[dreg:$0x1] =	wrdreg $0xFFFFFFFF  }
0xae: {  	[dreg:$0x0] =	wrdreg $0x60  }
0xaf: {  	[dreg:$0x2] =	wrdreg s2  }
0xb0: {  	[dreg:$0x3] =	wrdreg s24  }
0xb1: {  	[dreg:$0x4] =	wrdreg s18  }
0xb2: {  	[dreg:$0x5] =	wrdreg $0x1C000  }
0xb3: {  	[dreg:$0x6] =	wrdreg $0x9  }
0xb4: {  	_ =	task.clear_ibuf [dreg:s8], $0x7FFFF;
	_ =	strace $0x90000046  }
0xb5: {  	s29 =	simm.s32 $0x9;
	_ =	strace $0x80000048  }
0xb6: {  	_ =	swait.ge [sflag:s29], $0x1  }
0xb7: {  	[sflag:s29] =	ssyncadd.s32 $0xFFFFFFFF  }
0xb8: {  	_ =	strace $0x90000048  }
0xb9: {  	_ =	sfence  }
0xba: {  	s30 =	sld [smem:$0x0];
	_ =	sdelay $0x2  }
0xbb: {  	s31 =	sshll.u32 s1, $0xD;
	s1 =	sshrl.u32 s1, $0x2  }
0xbc: {  	s3 =	sand.u32 $0x4000, s31;
	s1 =	sadd.s32 s1, s30  }
0xbd: {  	s0 =	sor.u32 s3, s0;
	s1 =	sshll.u32 s1, $0x11  }
0xbe: {  	s0 =	sor.u32 s1, s0  }
0xbf: {  	s0 =	sadd.s32 $0x8F2B, s0  }
0xc0: {  	[sflag:s0] =	ssyncadd.remote.s32 $0x1  }
0xc1: {  	_ =	sfence.sel $0xFFFF  }
0xc2: {  	[dreg:$0x0] =	wrdreg $0xFFFFFFFF;
	(pc) =	sbr.abs _section_cstart, $3  }
0xc3: {  	[dreg:$0x1] =	wrdreg $0xFFFFFFFF  }
0xc4: {  	_ =	task.clear_ibuf [dreg:s8], $0x2FFFF;
	_ =	strace $0x9FFFFFFF  }
0xc5: {  	(tm) =	ssettm $0x7FFFFFFF  }
tec
execute0_lowered:
.L_overlay_start_1:
0x0: {  	(tag) =	ssettag $0x1  }
0x1: {  	s0 =	rddreg [dreg:$0x0]  }
0x2: {  	s1 =	rddreg [dreg:$0x1];
	s2 =	srdreg.scid  }
0x3: {  	s4 =	rddreg [dreg:$0x2];
	s14 =	stileid.u32  }
0x4: {  	s29 =	simm.s32 $0x13B40;
	s30 =	simm.s32 $0x6;
	s31 =	simm.s32 $0x3  }
0x5: {  	s28 =	simm.s32 $0x9;
	s5 =	sand.u32 $0x1, s2;
	s2 =	rddreg [dreg:$0x3]  }
0x6: {  	s16 =	sshll.u32 s14, $0xD;
	s17 =	sshll.u32 s14, $0xA;
	s23 =	smul.u32 $0x19000, s14  }
0x7: {  	p0 =	seq.s32 s14, $0xF;
	s3 =	sshll.u32 s5, $0x4;
	s8 =	ssub.s32 $0x2, s5  }
0x8: {  	s16 =	sadd.s32 s16, s2;
	s18 =	sadd.s32 s0, s17;
	s0 =	sadd.s32 $0x3C00, s0  }
0x9: {  	s21 =	smul.u32 $0x190000, s5;
	s17 =	simm.s32 $0xB;
	s6 =	sor.u32 s14, s3  }
0xa: {  	s5 =	simm.s32 $0x0;
	s3 =	simm.s32 $0x0;
	s7 =	smul.u32 $0x380, s6  }
0xb: {  	s9 =	sshrl.u32 s8, $0x1;
	s16 =	sshrl.u32 @!p0 s16, $0x3;
	s10 =	smul.u32 $0x19000, s6  }
0xc: {  	[smem:$0x7FF] =	sst s3;
	s8 =	ssub.s32 s8, s9;
	s6 =	smul.u32 $0xC8000, s6  }
0xd: {  	s9 =	sadd.s32 $0x1E000, s2;
	_ =	strace $0x80000047;
	[dreg:$0x5] =	wrdreg s18  }
0xe: {  	[dreg:$0x6] =	wrdreg s0;
	s12 =	smax.u32 s8, $0x1;
	s18 =	simm.s32 $0x80  }
0xf: {  	s1 =	sadd.s32 s7, s1;
	s7 =	sadd.s32 s4, s10;
	s20 =	sshrl.u32 s6, $0x3  }
0x10: {  	s19 =	sadd.s32 $0x400, s1;
	s22 =	sadd.s32 $0x800, s7;
	s0 =	sadd.s32 s4, s20  }
0x11: {  	s1 =	sadd.s32 s21, s4;
	s20 =	simm.s32 $0x7B40;
	[dreg:$0x7] =	wrdreg s19  }
0x12: {  	s21 =	simm.s32 $0x8;
	s4 =	simm.s32 $0xA;
	[dreg:$0x8] =	wrdreg s22  }
0x13: {  	s24 =	sadd.s32 $0x17800, s0;
	s25 =	sadd.s32 $0x18000, s0;
	s11 =	sadd.s32 $0x18800, s0  }
0x14: {  	s26 =	sadd.s32 s23, s1;
	s0 =	sshll.u32 @!p0 s14, $0x6;
	s14 =	sshrl.u32 @p0 s9, $0x3  }
0x15: {  	s19 =	simm.s32 $0x3B40;
	s22 =	simm.s32 $0xBB40;
	[dreg:$0x9] =	wrdreg s24  }
0x16: {  	s23 =	simm.s32 $0x1;
	s1 =	simm.s32 $0x4;
	[dreg:$0xa] =	wrdreg s25  }
0x17: {  	s13 =	sadd.s32 $0x1800, s26;
	s15 =	sor.u32 @!p0 $0x1C0B, s0;
	s25 =	simm.s32 $0xFB40  }
0x18: {  	s26 =	simm.s32 $0x2;
	s0 =	simm.s32 $0x7;
	s24 =	simm.s32 $0x5  }
.LBB2_1:
0x19: {  	s6 =	simm.s32 @p0 $0x1FCB;
	s8 =	rddreg [dreg:$0x6]  }
0x1a: {  	[spmem:s14], [sflag:s6] =	dma.local @p0 [hbm:s8], $0x280  }
0x1b: {  	s6 =	simm.s32 @p0 $0xB  }
0x1c: {  	_ =	swait.ge @p0 [sflag:s6], $0x280  }
0x1d: {  	[sflag:s6] =	ssyncset.done @p0 $0x0  }
0x1e: {  	[sflag:s6] =	ssyncadd.s32 @p0 $0xFFFFFD80;
	s6 =	rddreg [dreg:$0x5]  }
0x1f: {  	[spmem:s16], [sflag:s15] =	dma.local @!p0 [hbm:s6], $0x400  }
0x20: {  	s6 =	simm.s32 @!p0 $0xB  }
0x21: {  	_ =	swait.ge @!p0 [sflag:s6], $0x400  }
0x22: {  	[sflag:s6] =	ssyncset.done @!p0 $0x0  }
0x23: {  	s10 =	rddreg [dreg:$0x7];
	[sflag:s6] =	ssyncadd.s32 @!p0 $0xFFFFFC00  }
0x24: {  	[tilespmem:s3], [sflag:$0xB] =	stream.linear.gather [hbm4b:s10+s3], $0x1900, $0x38;
	[tilespmem:$0x17B40] =	vst v63  }
0x25: {  	_ =	swait.ge [sflag:s17], $0x1900  }
0x26: {  	[sflag:s17] =	ssyncset.done $0x0  }
0x27: {  	[sflag:s17] =	ssyncadd.s32 $0xFFFFE700  }
0x28: {  	[bflag:$0x0] =	sbarrier.arrive $0xFFFF  }
0x29: {  	[tilespmem:s19], [sflag:$0x1] =	stream.indirect.gather [spmem:s2], $0x80, s3, s18, $0xb8;
	[tilespmem:$0x17B40] =	vst v63  }
0x2a: {  	_ = 	snop  }
0x2b: {  	[tilespmem:s20], [sflag:$0x2] =	stream.indirect.gather [spmem:s2], $0x80, s18, s18, $0xb8;
	[tilespmem:$0x17B40] =	vst v63  }
0x2c: {  	s8 =	simm.s32 $0x100  }
0x2d: {  	[tilespmem:s22], [sflag:$0x3] =	stream.indirect.gather [spmem:s2], $0x80, s8, s18, $0xb8;
	[tilespmem:$0x17B40] =	vst v63  }
0x2e: {  	_ =	swait.ge [sflag:s23], $0x4000  }
0x2f: {  	[sflag:s23] =	ssyncset.done $0x0  }
0x30: {  	[sflag:s23] =	ssyncadd.s32 $0xFFFFC000  }
0x31: {  	[hbm4b:s7+s3] =	stream.linear.scatter [tilespmem:s19], [sflag:$0x6], $0x4000, $0x38;
	[tilespmem:$0x17B40] =	vst v63  }
0x32: {  	s9 =	simm.s32 $0x180  }
0x33: {  	[tilespmem:s25], [sflag:$0x4] =	stream.indirect.gather [spmem:s2], $0x80, s9, s18, $0xb8;
	[tilespmem:$0x17B40] =	vst v63  }
0x34: {  	_ =	swait.ge [sflag:s26], $0x4000  }
0x35: {  	[sflag:s26] =	ssyncset.done $0x0  }
0x36: {  	s10 =	rddreg [dreg:$0x8];
	[sflag:s26] =	ssyncadd.s32 $0xFFFFC000  }
0x37: {  	[hbm4b:s10+s3] =	stream.linear.scatter [tilespmem:s20], [sflag:$0x7], $0x4000, $0x38;
	[tilespmem:$0x17B40] =	vst v63  }
0x38: {  	s8 =	simm.s32 $0x200  }
0x39: {  	[tilespmem:s29], [sflag:$0x5] =	stream.indirect.gather [spmem:s2], $0x80, s8, s18, $0xb8;
	[tilespmem:$0x17B40] =	vst v63  }
0x3a: {  	_ =	swait.ge [sflag:s30], $0x4000  }
0x3b: {  	[sflag:s30] =	ssyncset.done $0x0  }
0x3c: {  	s9 =	simm.s32 $0x280;
	[sflag:s30] =	ssyncadd.s32 $0xFFFFC000  }
0x3d: {  	[tilespmem:s19], [sflag:$0x1] =	stream.indirect.gather [spmem:s2], $0x80, s9, s18, $0xb8;
	[tilespmem:$0x17B40] =	vst v63  }
0x3e: {  	_ =	swait.ge [sflag:s31], $0x4000  }
0x3f: {  	[sflag:s31] =	ssyncset.done $0x0  }
0x40: {  	s10 =	sadd.s32 $0xFFFFF800, s13;
	[sflag:s31] =	ssyncadd.s32 $0xFFFFC000  }
0x41: {  	[hbm4b:s10+s3] =	stream.linear.scatter [tilespmem:s22], [sflag:$0x8], $0x4000, $0x38;
	[tilespmem:$0x17B40] =	vst v63  }
0x42: {  	_ =	swait.ge [sflag:s0], $0x4000  }
0x43: {  	[sflag:s0] =	ssyncset.done $0x0  }
0x44: {  	s8 =	simm.s32 $0x300;
	[sflag:s0] =	ssyncadd.s32 $0xFFFFC000  }
0x45: {  	[tilespmem:s20], [sflag:$0x2] =	stream.indirect.gather [spmem:s2], $0x80, s8, s18, $0xb8;
	[tilespmem:$0x17B40] =	vst v63  }
0x46: {  	_ =	swait.ge [sflag:s1], $0x4000  }
0x47: {  	[sflag:s1] =	ssyncset.done $0x0  }
0x48: {  	[sflag:s1] =	ssyncadd.s32 $0xFFFFC000  }
0x49: {  	[hbm4b:s13+s3] =	stream.linear.scatter [tilespmem:s25], [sflag:$0x9], $0x4000, $0x38;
	[tilespmem:$0x17B40] =	vst v63  }
0x4a: {  	_ =	swait.ge [sflag:s21], $0x4000  }
0x4b: {  	[sflag:s21] =	ssyncset.done $0x0  }
0x4c: {  	s9 =	simm.s32 $0x380;
	[sflag:s21] =	ssyncadd.s32 $0xFFFFC000  }
0x4d: {  	[tilespmem:s22], [sflag:$0x3] =	stream.indirect.gather [spmem:s2], $0x80, s9, s18, $0xb8;
	[tilespmem:$0x17B40] =	vst v63  }
0x4e: {  	_ =	swait.ge [sflag:s24], $0x4000  }
0x4f: {  	[sflag:s24] =	ssyncset.done $0x0  }
0x50: {  	s10 =	sadd.s32 $0x800, s13;
	[sflag:s24] =	ssyncadd.s32 $0xFFFFC000  }
0x51: {  	[hbm4b:s10+s3] =	stream.linear.scatter [tilespmem:s29], [sflag:$0xA], $0x4000, $0x38;
	[tilespmem:$0x17B40] =	vst v63  }
0x52: {  	_ =	swait.ge [sflag:s28], $0x4000  }
0x53: {  	[sflag:s28] =	ssyncset.done $0x0  }
0x54: {  	s8 =	simm.s32 $0x400;
	[sflag:s28] =	ssyncadd.s32 $0xFFFFC000  }
0x55: {  	[tilespmem:s25], [sflag:$0x4] =	stream.indirect.gather [spmem:s2], $0x80, s8, s18, $0xb8;
	[tilespmem:$0x17B40] =	vst v63  }
0x56: {  	_ =	swait.ge [sflag:s23], $0x4000  }
0x57: {  	[sflag:s23] =	ssyncset.done $0x0  }
0x58: {  	s9 =	sadd.s32 $0x1000, s13;
	[sflag:s23] =	ssyncadd.s32 $0xFFFFC000  }
0x59: {  	[hbm4b:s9+s3] =	stream.linear.scatter [tilespmem:s19], [sflag:$0x6], $0x4000, $0x38;
	[tilespmem:$0x17B40] =	vst v63  }
0x5a: {  	_ =	swait.ge [sflag:s4], $0x4000  }
0x5b: {  	[sflag:s4] =	ssyncset.done $0x0  }
0x5c: {  	s10 =	simm.s32 $0x480;
	[sflag:s4] =	ssyncadd.s32 $0xFFFFC000  }
0x5d: {  	[tilespmem:s29], [sflag:$0x5] =	stream.indirect.gather [spmem:s2], $0x80, s10, s18, $0xb8;
	[tilespmem:$0x17B40] =	vst v63  }
0x5e: {  	_ =	swait.ge [sflag:s26], $0x4000  }
0x5f: {  	s6 =	simm.s32 $0xA00;
	[sflag:s26] =	ssyncset.done $0x0  }
0x60: {  	s8 =	sadd.s32 $0x2800, s13;
	s9 =	sadd.s32 $0x1800, s13;
	[sflag:s26] =	ssyncadd.s32 $0xFFFFC000  }
.LBB2_2:
0x61: {  	[hbm4b:s9+s3] =	stream.linear.scatter [tilespmem:s20], [sflag:$0x7], $0x4000, $0x38;
	[tilespmem:$0x17B40] =	vst v63  }
0x62: {  	s9 =	smov.u32 s6  }
0x63: {  	p1 =	sne.s32 s6, $0x5000;
	s6 =	sadd.s32 $0xA00, s6;
	_ =	swait.ge [sflag:s30], $0x4000  }
0x64: {  	s9 =	sshra.s32 s9, $0x2;
	[sflag:s30] =	ssyncset.done $0x0  }
0x65: {  	s10 =	sadd.s32 $0x280, s9;
	[sflag:s30] =	ssyncadd.s32 $0xFFFFC000  }
0x66: {  	[tilespmem:s19], [sflag:$0x1] =	stream.indirect.gather [spmem:s2], $0x80, s10, s18, $0xb8;
	[tilespmem:$0x17B40] =	vst v63  }
0x67: {  	_ =	swait.ge [sflag:s31], $0x4000  }
0x68: {  	[sflag:s31] =	ssyncset.done $0x0  }
0x69: {  	s10 =	sadd.s32 $0xFFFFF800, s8;
	[sflag:s31] =	ssyncadd.s32 $0xFFFFC000  }
0x6a: {  	[hbm4b:s10+s3] =	stream.linear.scatter [tilespmem:s22], [sflag:$0x8], $0x4000, $0x38;
	[tilespmem:$0x17B40] =	vst v63  }
0x6b: {  	_ =	swait.ge [sflag:s0], $0x4000  }
0x6c: {  	[sflag:s0] =	ssyncset.done $0x0  }
0x6d: {  	s10 =	sadd.s32 $0x300, s9;
	[sflag:s0] =	ssyncadd.s32 $0xFFFFC000  }
0x6e: {  	[tilespmem:s20], [sflag:$0x2] =	stream.indirect.gather [spmem:s2], $0x80, s10, s18, $0xb8;
	[tilespmem:$0x17B40] =	vst v63  }
0x6f: {  	_ =	swait.ge [sflag:s1], $0x4000  }
0x70: {  	[sflag:s1] =	ssyncset.done $0x0  }
0x71: {  	[sflag:s1] =	ssyncadd.s32 $0xFFFFC000  }
0x72: {  	[hbm4b:s8+s3] =	stream.linear.scatter [tilespmem:s25], [sflag:$0x9], $0x4000, $0x38;
	[tilespmem:$0x17B40] =	vst v63  }
0x73: {  	_ =	swait.ge [sflag:s21], $0x4000  }
0x74: {  	[sflag:s21] =	ssyncset.done $0x0  }
0x75: {  	s10 =	sadd.s32 $0x380, s9;
	[sflag:s21] =	ssyncadd.s32 $0xFFFFC000  }
0x76: {  	[tilespmem:s22], [sflag:$0x3] =	stream.indirect.gather [spmem:s2], $0x80, s10, s18, $0xb8;
	[tilespmem:$0x17B40] =	vst v63  }
0x77: {  	_ =	swait.ge [sflag:s24], $0x4000  }
0x78: {  	[sflag:s24] =	ssyncset.done $0x0  }
0x79: {  	s10 =	sadd.s32 $0x800, s8;
	[sflag:s24] =	ssyncadd.s32 $0xFFFFC000  }
0x7a: {  	[hbm4b:s10+s3] =	stream.linear.scatter [tilespmem:s29], [sflag:$0xA], $0x4000, $0x38;
	[tilespmem:$0x17B40] =	vst v63  }
0x7b: {  	_ =	swait.ge [sflag:s28], $0x4000  }
0x7c: {  	[sflag:s28] =	ssyncset.done $0x0  }
0x7d: {  	s10 =	sadd.s32 $0x400, s9;
	[sflag:s28] =	ssyncadd.s32 $0xFFFFC000  }
0x7e: {  	[tilespmem:s25], [sflag:$0x4] =	stream.indirect.gather [spmem:s2], $0x80, s10, s18, $0xb8;
	[tilespmem:$0x17B40] =	vst v63  }
0x7f: {  	_ =	swait.ge [sflag:s23], $0x4000  }
0x80: {  	[sflag:s23] =	ssyncset.done $0x0  }
0x81: {  	s10 =	sadd.s32 $0x1000, s8;
	[sflag:s23] =	ssyncadd.s32 $0xFFFFC000  }
0x82: {  	[hbm4b:s10+s3] =	stream.linear.scatter [tilespmem:s19], [sflag:$0x6], $0x4000, $0x38;
	[tilespmem:$0x17B40] =	vst v63  }
0x83: {  	_ =	swait.ge [sflag:s4], $0x4000  }
0x84: {  	[sflag:s4] =	ssyncset.done $0x0  }
.Ltmp0:
0x85: {  	s9 =	sadd.s32 $0x480, s9;
	[sflag:s4] =	ssyncadd.s32 $0xFFFFC000;
	(pc) =	sbr.rel @p1 .LBB2_2-.Ltmp0, $4  }
0x86: {  	[tilespmem:s29], [sflag:$0x5] =	stream.indirect.gather [spmem:s2], $0x80, s9, s18, $0xb8;
	[tilespmem:$0x17B40] =	vst v63  }
0x87: {  	_ =	swait.ge [sflag:s26], $0x4000  }
0x88: {  	[sflag:s26] =	ssyncset.done $0x0  }
0x89: {  	s9 =	sadd.s32 $0x1800, s8;
	s8 =	sadd.s32 $0x2800, s8;
	[sflag:s26] =	ssyncadd.s32 $0xFFFFC000  }
0x8a: {  	[hbm4b:s9+s3] =	stream.linear.scatter [tilespmem:s20], [sflag:$0x7], $0x4000, $0x38;
	[tilespmem:$0x17B40] =	vst v63  }
0x8b: {  	_ =	swait.ge [sflag:s31], $0x4000  }
0x8c: {  	[sflag:s31] =	ssyncset.done $0x0  }
0x8d: {  	s6 =	rddreg [dreg:$0x9];
	[sflag:s31] =	ssyncadd.s32 $0xFFFFC000  }
0x8e: {  	[hbm4b:s6+s3] =	stream.linear.scatter [tilespmem:s22], [sflag:$0x8], $0x4000, $0x38;
	[tilespmem:$0x17B40] =	vst v63  }
0x8f: {  	_ =	swait.ge [sflag:s1], $0x4000  }
0x90: {  	[sflag:s1] =	ssyncset.done $0x0  }
0x91: {  	s10 =	rddreg [dreg:$0xa];
	[sflag:s1] =	ssyncadd.s32 $0xFFFFC000  }
0x92: {  	[hbm4b:s10+s3] =	stream.linear.scatter [tilespmem:s25], [sflag:$0x9], $0x4000, $0x38;
	[tilespmem:$0x17B40] =	vst v63  }
0x93: {  	_ =	swait.ge [sflag:s24], $0x4000  }
0x94: {  	[sflag:s24] =	ssyncset.done $0x0  }
0x95: {  	[sflag:s24] =	ssyncadd.s32 $0xFFFFC000  }
0x96: {  	[hbm4b:s11+s3] =	stream.linear.scatter [tilespmem:s29], [sflag:$0xA], $0x4000, $0x38;
	[tilespmem:$0x17B40] =	vst v63  }
0x97: {  	_ =	swait.ge [sflag:s30], $0x4000  }
0x98: {  	[sflag:s30] =	ssyncset.done $0x0  }
0x99: {  	[sflag:s30] =	ssyncadd.s32 $0xFFFFC000  }
0x9a: {  	_ =	swait.ge [sflag:s0], $0x4000  }
0x9b: {  	[sflag:s0] =	ssyncset.done $0x0  }
0x9c: {  	[sflag:s0] =	ssyncadd.s32 $0xFFFFC000  }
0x9d: {  	_ =	swait.ge [sflag:s21], $0x4000  }
0x9e: {  	[sflag:s21] =	ssyncset.done $0x0  }
0x9f: {  	s5 =	sadd.s32 $0x1, s5;
	[sflag:s21] =	ssyncadd.s32 $0xFFFFC000  }
0xa0: {  	p1 =	sne.s32 s5, s12;
	_ =	swait.ge [sflag:s28], $0x4000  }
.Ltmp1:
0xa1: {  	[sflag:s28] =	ssyncset.done $0x0;
	(pc) =	sbr.rel @p1 .LBB2_1-.Ltmp1, $4  }
0xa2: {  	[sflag:s28] =	ssyncadd.s32 $0xFFFFC000  }
0xa3: {  	_ =	swait.ge [sflag:s4], $0x4000  }
0xa4: {  	[sflag:s4] =	ssyncset.done $0x0  }
0xa5: {  	[sflag:s4] =	ssyncadd.s32 $0xFFFFC000  }
0xa6: {  	_ =	sfence.sel $0x180000  }
0xa7: {  	[bflag:$0x0] =	sbarrier.arrive $0xFFFF  }
0xa8: {  	_ =	strace $0x90000047  }
0xa9: {  	s0 =	stileid.u32;
	[bflag:$0x2] =	sbarrier.arrive $0xFFFF  }
0xaa: {  	p0 =	sne.s32 s0, $0x0;
	s0 =	rddreg [dreg:$0x4]  }
0xab: {  	s0 =	sadd.s32 @!p0 $0x100000, s0  }
0xac: {  	[sflag:s0] =	ssyncadd.tile.s32 @!p0 $0x1;
	_ =	shalt  }
.Lfunc_end2:
_tile_overlayer_lowered:
.L_overlay_start_2:
0xad: {  	(tag) =	ssettag $0x2  }
0xae: {  	s0 =	rddreg [dreg:$0x0];
	s2 =	stileid.u32  }
0xaf: {  	s1 =	rddreg [dreg:$0x1];
	p0 =	sne.s32 s2, $0x0  }
0xb0: {  	s3 =	rddreg [dreg:$0x2];
	[bflag:$0x3] =	sbarrier.arrive $0xFFFF;
	s2 =	simm.s32 @!p0 $0x1C0B  }
0xb1: {  	[timem:s3], [sflag:s2] =	dma.local @!p0 [hbm:s0], s1  }
0xb2: {  	s0 =	simm.s32 @!p0 $0xB  }
0xb3: {  	_ =	swait.ge @!p0 [sflag:s0], s1  }
0xb4: {  	s1 =	ssub.s32 @!p0 $0x0, s1;
	[sflag:s0] =	ssyncset.done @!p0 $0x0  }
0xb5: {  	[sflag:s0] =	ssyncadd.s32 @!p0 s1  }
0xb6: {  	[bflag:$0x3] =	sbarrier.arrive $0xFFFF  }
0xb7: {  	_ =	shalt  }

</sc_bundles>
